<compile_context>
chip_gen: v7x
topology: tpu7x:2x2x1
jax: 0.10.2.dev20260603
libtpu: 0.0.44.dev20260713+nightly
codegen_flags: <defaults>
</compile_context>

<pallas_src>
import jax
import jax.numpy as jnp
from jax import lax
from jax.experimental import pallas as pl
from jax.experimental.pallas import tpu as pltpu
from jax.experimental.pallas import tpu_sc as plsc

N = 32768
P = 64
L = 16
NC = 2
NS = 16
NW = NC * NS
TOK_W = N // NW
TB = 128
NCHUNK = TOK_W // TB
GROUPS = TB // L


def _topk_mask_body(in4, out4, in0, in1, ot0, ot1, si0, si1, so0, so1):
    cid = lax.axis_index("c")
    sid = lax.axis_index("s")
    wid = sid * NC + cid
    jbase = wid * NCHUNK

    ins = (in0, in1)
    outs = (ot0, ot1)
    isems = (si0, si1)
    osems = (so0, so1)

    lane = lax.iota(jnp.int32, L)
    zeros_i = jnp.zeros((L,), jnp.int32)
    ones_i = jnp.ones((L,), jnp.int32)
    ninf = jnp.full((L,), float("-inf"), jnp.float32)

    def in_copy(k, b):
        return pltpu.make_async_copy(in4.at[:, jbase + k], ins[b], isems[b])

    def out_copy(k, b):
        return pltpu.make_async_copy(outs[b], out4.at[:, jbase + k], osems[b])

    in_copy(0, 0).start()

    def pair_body(pp, carry):
        for b in range(2):
            k = pp * 2 + b
            in_copy(k, b).wait()

            @pl.when(k + 1 < NCHUNK)
            def _():
                in_copy(k + 1, 1 - b).start()

            @pl.when(k >= 2)
            def _():
                out_copy(k - 2, b).wait()

            def group_body(g, gcarry):
                def octet_body(i, oc):
                    m1, m2, a1, a2 = oc
                    p0 = i * 8
                    for q in range(8):
                        v = ins[b][i, q, pl.ds(g * L, L)]
                        pq = p0 + q
                        gt1 = v > m1
                        u = jnp.minimum(m1, v)
                        ui = jnp.where(gt1, a1, pq)
                        gt2 = gt1 | (u > m2)
                        m1 = jnp.maximum(m1, v)
                        a1 = jnp.where(gt1, pq, a1)
                        m2 = jnp.maximum(m2, u)
                        a2 = jnp.where(gt2, ui, a2)
                        outs[b][i, q, pl.ds(g * L, L)] = zeros_i
                    return m1, m2, a1, a2

                m1, m2, a1, a2 = lax.fori_loop(
                    0, P // 8, octet_body, (ninf, ninf, zeros_i, zeros_i))
                tl = lane + g * L
                plsc.store_scatter(
                    outs[b], [a1 >> 3, a1 & 7, tl], ones_i)
                plsc.store_scatter(
                    outs[b], [a2 >> 3, a2 & 7, tl], ones_i)
                return gcarry

            lax.fori_loop(0, GROUPS, group_body, 0)
            out_copy(k, b).start()
        return carry

    lax.fori_loop(0, NCHUNK // 2, pair_body, 0)
    out_copy(NCHUNK - 2, 0).wait()
    out_copy(NCHUNK - 1, 1).wait()


def kernel(score):
    mesh = plsc.VectorSubcoreMesh(
        core_axis_name="c", subcore_axis_name="s",
        num_cores=NC, num_subcores=NS)
    s4 = score.T.reshape(P // 8, 8, N // TB, TB).transpose(0, 2, 1, 3)
    out4 = pl.kernel(
        _topk_mask_body,
        out_type=jax.ShapeDtypeStruct((P // 8, N // TB, 8, TB), jnp.int32),
        mesh=mesh,
        compiler_params=pltpu.CompilerParams(needs_layout_passes=False),
        scratch_types=[
            pltpu.VMEM((P // 8, 8, TB), jnp.float32),
            pltpu.VMEM((P // 8, 8, TB), jnp.float32),
            pltpu.VMEM((P // 8, 8, TB), jnp.int32),
            pltpu.VMEM((P // 8, 8, TB), jnp.int32),
            pltpu.SemaphoreType.DMA,
            pltpu.SemaphoreType.DMA,
            pltpu.SemaphoreType.DMA,
            pltpu.SemaphoreType.DMA,
        ],
    )(s4)
    return out4.transpose(0, 2, 1, 3).reshape(P, N).T

# --- scband reference (transcript-rebuilt; emitter-appended) ---
"""Pipeline reference for scband-top-kprotocol-6777458393949 (READ-ONLY COPY).

The authoritative reference and input builder live on the scoring server;
editing this copy changes nothing except your own understanding.
"""

import jax, jax.numpy as jnp
import numpy as np

PATH_NUM = 64
K = 2


def setup_inputs(seed: int = 0) -> dict:
    key = jax.random.key(seed)
    score = jax.random.normal(key, (32768, PATH_NUM), dtype=jnp.float32)
    return {"score": score}


def reference(score):
    # torch.topk(score, k, dim=1).indices
    _, idx = jax.lax.top_k(score, K)  # [N, K]
    n = score.shape[0]
    # torch.zeros(N, path_num, dtype=int64).scatter_(1, idx, 1)
    rows = jnp.arange(n)[:, None]
    hot_mask = jnp.zeros((n, PATH_NUM), dtype=jnp.int32).at[rows, idx].set(1)
    return hot_mask

if __name__ == "__main__":
    import jax
    _d = setup_inputs()
    print(jax.jit(kernel)(*tuple(_d.values())))

</pallas_src>

<mosaic_0001>
#map = affine_map<(d0, d1) -> (0, 0, 0, 0)>
module attributes {stable_mosaic.version = 14 : i64} {
  func.func @_topk_mask_body(%arg0: i32, %arg1: i32, %arg2: memref<8x256x8x128xf32, #tpu.memory_space<hbm>>, %arg3: memref<8x256x8x128xi32, #tpu.memory_space<hbm>>, %arg4: memref<8x8x128xf32, #tpu.memory_space<vmem>>, %arg5: memref<8x8x128xf32, #tpu.memory_space<vmem>>, %arg6: memref<8x8x128xi32, #tpu.memory_space<vmem>>, %arg7: memref<8x8x128xi32, #tpu.memory_space<vmem>>, %arg8: memref<!tpu.dma_semaphore, #tpu.memory_space<semaphore_mem>>, %arg9: memref<!tpu.dma_semaphore, #tpu.memory_space<semaphore_mem>>, %arg10: memref<!tpu.dma_semaphore, #tpu.memory_space<semaphore_mem>>, %arg11: memref<!tpu.dma_semaphore, #tpu.memory_space<semaphore_mem>>) attributes {dimension_semantics = [#tpu.dimension_semantics<core_parallel>, #tpu.dimension_semantics<subcore_parallel>], iteration_bounds = array<i64: 2, 16>, scalar_prefetch = 0 : i64, scratch_operands = 8 : i64, tpu.core_type = #tpu.core_type<sc_vector_subcore>, window_params = [{transform_indices = #map}, {transform_indices = #map}]} {
    %mul3A = arith.constant 2 : i32
    %mul3A_0 = arith.muli %arg1, %mul3A : i32
    %add3A = arith.addi %mul3A_0, %arg0 : i32
    %mul3A_1 = arith.constant 8 : i32
    %mul3A_2 = arith.muli %add3A, %mul3A_1 : i32
    %iota3A = tpu.iota {dimensions = array<i32: 0>} : vector<16xi32>
    %broadcast_in_dim3A = arith.constant 0 : i32
    %broadcast_in_dim3A_3 = vector.broadcast %broadcast_in_dim3A : i32 to vector<16xi32>
    %broadcast_in_dim3A_4 = arith.constant 1 : i32
    %broadcast_in_dim3A_5 = vector.broadcast %broadcast_in_dim3A_4 : i32 to vector<16xi32>
    %broadcast_in_dim3A_6 = arith.constant 0xFF800000 : f32
    %broadcast_in_dim3A_7 = vector.broadcast %broadcast_in_dim3A_6 : f32 to vector<16xf32>
    %add3A_8 = arith.constant 0 : i32
    %add3A_9 = arith.addi %mul3A_2, %add3A_8 : i32
    %dma_start3A = arith.constant 0 : i32
    %dma_start3A_10 = arith.constant 0 : i32
    %dma_start3A_11 = arith.constant 0 : i32
    %dma_start3A_12 = tpu.memref_slice %arg2[%dma_start3A, %add3A_9, %dma_start3A_10, %dma_start3A_11] : memref<8x256x8x128xf32, #tpu.memory_space<hbm>> -> memref<8x1x8x128xf32, #tpu.memory_space<hbm>>
    %dma_start3A_13 = tpu.memref_squeeze %dma_start3A_12 : memref<8x1x8x128xf32, #tpu.memory_space<hbm>> -> memref<8x8x128xf32, #tpu.memory_space<hbm>>
    %dma_start3A_14 = arith.constant 0 : i32
    %dma_start3A_15 = arith.constant 0 : i32
    %dma_start3A_16 = arith.constant 0 : i32
    %dma_start3A_17 = tpu.memref_slice %arg2[%dma_start3A_14, %add3A_9, %dma_start3A_15, %dma_start3A_16] : memref<8x256x8x128xf32, #tpu.memory_space<hbm>> -> memref<8x1x8x128xf32, #tpu.memory_space<hbm>>
    %dma_start3A_18 = tpu.memref_squeeze %dma_start3A_17 : memref<8x1x8x128xf32, #tpu.memory_space<hbm>> -> memref<8x8x128xf32, #tpu.memory_space<hbm>>
    tpu.enqueue_dma source(%dma_start3A_18 : memref<8x8x128xf32, #tpu.memory_space<hbm>>) target(%arg4 : memref<8x8x128xf32, #tpu.memory_space<vmem>>) target_semaphore(%arg8 : memref<!tpu.dma_semaphore, #tpu.memory_space<semaphore_mem>>)
    %scan3A = arith.constant 0 : i32
    %scan3A_19 = arith.constant 0 : i32
    %scan3A_20 = arith.constant 4 : i32
    %scan3A_21 = arith.addi %scan3A_19, %scan3A_20 : i32
    %scan3A_22 = arith.constant 1 : i32
    scf.for %scan3A_47 = %scan3A_19 to %scan3A_21 step %scan3A_22  : i32 {
      %mul3A_48 = arith.constant 2 : i32
      %mul3A_49 = arith.muli %scan3A_47, %mul3A_48 : i32
      %add3A_50 = arith.constant 0 : i32
      %add3A_51 = arith.addi %mul3A_49, %add3A_50 : i32
      %add3A_52 = arith.addi %mul3A_2, %add3A_51 : i32
      %dma_wait3A_53 = arith.constant 0 : i32
      %dma_wait3A_54 = arith.constant 0 : i32
      %dma_wait3A_55 = arith.constant 0 : i32
      %dma_wait3A_56 = tpu.memref_slice %arg2[%dma_wait3A_53, %add3A_52, %dma_wait3A_54, %dma_wait3A_55] : memref<8x256x8x128xf32, #tpu.memory_space<hbm>> -> memref<8x1x8x128xf32, #tpu.memory_space<hbm>>
      %dma_wait3A_57 = tpu.memref_squeeze %dma_wait3A_56 : memref<8x1x8x128xf32, #tpu.memory_space<hbm>> -> memref<8x8x128xf32, #tpu.memory_space<hbm>>
      %dma_wait3A_58 = arith.constant 0 : i32
      %dma_wait3A_59 = arith.constant 0 : i32
      %dma_wait3A_60 = arith.constant 0 : i32
      %dma_wait3A_61 = tpu.memref_slice %arg2[%dma_wait3A_58, %add3A_52, %dma_wait3A_59, %dma_wait3A_60] : memref<8x256x8x128xf32, #tpu.memory_space<hbm>> -> memref<8x1x8x128xf32, #tpu.memory_space<hbm>>
      %dma_wait3A_62 = tpu.memref_squeeze %dma_wait3A_61 : memref<8x1x8x128xf32, #tpu.memory_space<hbm>> -> memref<8x8x128xf32, #tpu.memory_space<hbm>>
      tpu.wait_dma2 semaphore(%arg8 : memref<!tpu.dma_semaphore, #tpu.memory_space<semaphore_mem>>) src(%dma_wait3A_62 : memref<8x8x128xf32, #tpu.memory_space<hbm>>) dst(%arg4 : memref<8x8x128xf32, #tpu.memory_space<vmem>>)
      %add3A_63 = arith.constant 1 : i32
      %add3A_64 = arith.addi %add3A_51, %add3A_63 : i32
      %lt3A = arith.constant 8 : i32
      %lt3A_65 = arith.cmpi slt, %add3A_64, %lt3A : i32
      %convert_element_type3A = arith.extui %lt3A_65 : i1 to i32
      %cond3A = arith.constant 0 : i32
      %cond3A_66 = arith.cmpi ne, %convert_element_type3A, %cond3A : i32
      scf.if %cond3A_66 {
        %add3A_132 = arith.constant 1 : i32
        %add3A_133 = arith.addi %add3A_51, %add3A_132 : i32
        %add3A_134 = arith.addi %mul3A_2, %add3A_133 : i32
        %dma_start3A_135 = arith.constant 0 : i32
        %dma_start3A_136 = arith.constant 0 : i32
        %dma_start3A_137 = arith.constant 0 : i32
        %dma_start3A_138 = tpu.memref_slice %arg2[%dma_start3A_135, %add3A_134, %dma_start3A_136, %dma_start3A_137] : memref<8x256x8x128xf32, #tpu.memory_space<hbm>> -> memref<8x1x8x128xf32, #tpu.memory_space<hbm>>
        %dma_start3A_139 = tpu.memref_squeeze %dma_start3A_138 : memref<8x1x8x128xf32, #tpu.memory_space<hbm>> -> memref<8x8x128xf32, #tpu.memory_space<hbm>>
        %dma_start3A_140 = arith.constant 0 : i32
        %dma_start3A_141 = arith.constant 0 : i32
        %dma_start3A_142 = arith.constant 0 : i32
        %dma_start3A_143 = tpu.memref_slice %arg2[%dma_start3A_140, %add3A_134, %dma_start3A_141, %dma_start3A_142] : memref<8x256x8x128xf32, #tpu.memory_space<hbm>> -> memref<8x1x8x128xf32, #tpu.memory_space<hbm>>
        %dma_start3A_144 = tpu.memref_squeeze %dma_start3A_143 : memref<8x1x8x128xf32, #tpu.memory_space<hbm>> -> memref<8x8x128xf32, #tpu.memory_space<hbm>>
        tpu.enqueue_dma source(%dma_start3A_144 : memref<8x8x128xf32, #tpu.memory_space<hbm>>) target(%arg5 : memref<8x8x128xf32, #tpu.memory_space<vmem>>) target_semaphore(%arg9 : memref<!tpu.dma_semaphore, #tpu.memory_space<semaphore_mem>>)
      } else {
      }
      %ge3A = arith.constant 2 : i32
      %ge3A_67 = arith.cmpi sge, %add3A_51, %ge3A : i32
      %convert_element_type3A_68 = arith.extui %ge3A_67 : i1 to i32
      %cond3A_69 = arith.constant 0 : i32
      %cond3A_70 = arith.cmpi ne, %convert_element_type3A_68, %cond3A_69 : i32
      scf.if %cond3A_70 {
        %sub3A = arith.constant 2 : i32
        %sub3A_132 = arith.subi %add3A_51, %sub3A : i32
        %add3A_133 = arith.addi %mul3A_2, %sub3A_132 : i32
        %dma_wait3A_134 = arith.constant 0 : i32
        %dma_wait3A_135 = arith.constant 0 : i32
        %dma_wait3A_136 = arith.constant 0 : i32
        %dma_wait3A_137 = tpu.memref_slice %arg3[%dma_wait3A_134, %add3A_133, %dma_wait3A_135, %dma_wait3A_136] : memref<8x256x8x128xi32, #tpu.memory_space<hbm>> -> memref<8x1x8x128xi32, #tpu.memory_space<hbm>>
        %dma_wait3A_138 = tpu.memref_squeeze %dma_wait3A_137 : memref<8x1x8x128xi32, #tpu.memory_space<hbm>> -> memref<8x8x128xi32, #tpu.memory_space<hbm>>
        %dma_wait3A_139 = arith.constant 0 : i32
        %dma_wait3A_140 = arith.constant 0 : i32
        %dma_wait3A_141 = arith.constant 0 : i32
        %dma_wait3A_142 = tpu.memref_slice %arg3[%dma_wait3A_139, %add3A_133, %dma_wait3A_140, %dma_wait3A_141] : memref<8x256x8x128xi32, #tpu.memory_space<hbm>> -> memref<8x1x8x128xi32, #tpu.memory_space<hbm>>
        %dma_wait3A_143 = tpu.memref_squeeze %dma_wait3A_142 : memref<8x1x8x128xi32, #tpu.memory_space<hbm>> -> memref<8x8x128xi32, #tpu.memory_space<hbm>>
        tpu.wait_dma2 semaphore(%arg10 : memref<!tpu.dma_semaphore, #tpu.memory_space<semaphore_mem>>) src(%arg6 : memref<8x8x128xi32, #tpu.memory_space<vmem>>) dst(%dma_wait3A_143 : memref<8x8x128xi32, #tpu.memory_space<hbm>>)
      } else {
      }
      %scan3A_71 = arith.constant 0 : i32
      %scan3A_72 = arith.constant 0 : i32
      %scan3A_73 = arith.constant 8 : i32
      %scan3A_74 = arith.addi %scan3A_72, %scan3A_73 : i32
      %scan3A_75 = arith.constant 1 : i32
      scf.for %scan3A_132 = %scan3A_72 to %scan3A_74 step %scan3A_75  : i32 {
        %scan3A_133 = arith.constant 0 : i32
        %scan3A_134 = arith.constant 8 : i32
        %scan3A_135 = arith.addi %scan3A_133, %scan3A_134 : i32
        %scan3A_136 = arith.constant 1 : i32
        %scan3A_137:4 = scf.for %scan3A_153 = %scan3A_133 to %scan3A_135 step %scan3A_136 iter_args(%scan3A_154 = %broadcast_in_dim3A_7, %scan3A_155 = %broadcast_in_dim3A_7, %scan3A_156 = %broadcast_in_dim3A_3, %scan3A_157 = %broadcast_in_dim3A_3) -> (vector<16xf32>, vector<16xf32>, vector<16xi32>, vector<16xi32>)  : i32 {
          %mul3A_158 = arith.constant 8 : i32
          %mul3A_159 = arith.muli %scan3A_153, %mul3A_158 : i32
          %mul3A_160 = arith.constant 16 : i32
          %mul3A_161 = arith.muli %scan3A_132, %mul3A_160 : i32
          %get3A = arith.constant 0 : i32
          %get3A_162 = arith.index_cast %scan3A_153 : i32 to index
          %get3A_163 = arith.index_cast %get3A : i32 to index
          %get3A_164 = arith.index_cast %mul3A_161 : i32 to index
          %get3A_165 = tpu.vector_load %arg4[%get3A_162, %get3A_163, %get3A_164] {strides = array<i32>} : memref<8x8x128xf32, #tpu.memory_space<vmem>>, vector<16xf32>,
          %add3A_166 = arith.constant 0 : i32
          %add3A_167 = arith.addi %mul3A_159, %add3A_166 : i32
          %gt3A = arith.cmpf ogt, %get3A_165, %scan3A_154 : vector<16xf32>
          %min3A = arith.minimumf %scan3A_154, %get3A_165 : vector<16xf32>
          %broadcast_in_dim3A_168 = vector.broadcast %add3A_167 : i32 to vector<16xi32>
          %select_n3A = arith.select %gt3A, %scan3A_156, %broadcast_in_dim3A_168 : vector<16xi1>, vector<16xi32>
          %gt3A_169 = arith.cmpf ogt, %min3A, %scan3A_155 : vector<16xf32>
          %or3A = arith.ori %gt3A, %gt3A_169 : vector<16xi1>
          %max3A = arith.maximumf %scan3A_154, %get3A_165 : vector<16xf32>
          %broadcast_in_dim3A_170 = vector.broadcast %add3A_167 : i32 to vector<16xi32>
          %select_n3A_171 = arith.select %gt3A, %broadcast_in_dim3A_170, %scan3A_156 : vector<16xi1>, vector<16xi32>
          %max3A_172 = arith.maximumf %scan3A_155, %min3A : vector<16xf32>
          %select_n3A_173 = arith.select %or3A, %select_n3A, %scan3A_157 : vector<16xi1>, vector<16xi32>
          %mul3A_174 = arith.constant 16 : i32
          %mul3A_175 = arith.muli %scan3A_132, %mul3A_174 : i32
          %swap3A = arith.constant 0 : i32
          %swap3A_176 = arith.index_cast %scan3A_153 : i32 to index
          %swap3A_177 = arith.index_cast %swap3A : i32 to index
          %swap3A_178 = arith.index_cast %mul3A_175 : i32 to index
          %swap3A_179 = tpu.vector_load %arg6[%swap3A_176, %swap3A_177, %swap3A_178] {strides = array<i32>} : memref<8x8x128xi32, #tpu.memory_space<vmem>>, vector<16xi32>,
          tpu.vector_store %arg6[%swap3A_176, %swap3A_177, %swap3A_178], %broadcast_in_dim3A_3 {strides = array<i32>} : memref<8x8x128xi32, #tpu.memory_space<vmem>>, vector<16xi32>,
          %mul3A_180 = arith.constant 16 : i32
          %mul3A_181 = arith.muli %scan3A_132, %mul3A_180 : i32
          %get3A_182 = arith.constant 1 : i32
          %get3A_183 = arith.index_cast %scan3A_153 : i32 to index
          %get3A_184 = arith.index_cast %get3A_182 : i32 to index
          %get3A_185 = arith.index_cast %mul3A_181 : i32 to index
          %get3A_186 = tpu.vector_load %arg4[%get3A_183, %get3A_184, %get3A_185] {strides = array<i32>} : memref<8x8x128xf32, #tpu.memory_space<vmem>>, vector<16xf32>,
          %add3A_187 = arith.constant 1 : i32
          %add3A_188 = arith.addi %mul3A_159, %add3A_187 : i32
          %gt3A_189 = arith.cmpf ogt, %get3A_186, %max3A : vector<16xf32>
          %min3A_190 = arith.minimumf %max3A, %get3A_186 : vector<16xf32>
          %broadcast_in_dim3A_191 = vector.broadcast %add3A_188 : i32 to vector<16xi32>
          %select_n3A_192 = arith.select %gt3A_189, %select_n3A_171, %broadcast_in_dim3A_191 : vector<16xi1>, vector<16xi32>
          %gt3A_193 = arith.cmpf ogt, %min3A_190, %max3A_172 : vector<16xf32>
          %or3A_194 = arith.ori %gt3A_189, %gt3A_193 : vector<16xi1>
          %max3A_195 = arith.maximumf %max3A, %get3A_186 : vector<16xf32>
          %broadcast_in_dim3A_196 = vector.broadcast %add3A_188 : i32 to vector<16xi32>
          %select_n3A_197 = arith.select %gt3A_189, %broadcast_in_dim3A_196, %select_n3A_171 : vector<16xi1>, vector<16xi32>
          %max3A_198 = arith.maximumf %max3A_172, %min3A_190 : vector<16xf32>
          %select_n3A_199 = arith.select %or3A_194, %select_n3A_192, %select_n3A_173 : vector<16xi1>, vector<16xi32>
          %mul3A_200 = arith.constant 16 : i32
          %mul3A_201 = arith.muli %scan3A_132, %mul3A_200 : i32
          %swap3A_202 = arith.constant 1 : i32
          %swap3A_203 = arith.index_cast %scan3A_153 : i32 to index
          %swap3A_204 = arith.index_cast %swap3A_202 : i32 to index
          %swap3A_205 = arith.index_cast %mul3A_201 : i32 to index
          %swap3A_206 = tpu.vector_load %arg6[%swap3A_203, %swap3A_204, %swap3A_205] {strides = array<i32>} : memref<8x8x128xi32, #tpu.memory_space<vmem>>, vector<16xi32>,
          tpu.vector_store %arg6[%swap3A_203, %swap3A_204, %swap3A_205], %broadcast_in_dim3A_3 {strides = array<i32>} : memref<8x8x128xi32, #tpu.memory_space<vmem>>, vector<16xi32>,
          %mul3A_207 = arith.constant 16 : i32
          %mul3A_208 = arith.muli %scan3A_132, %mul3A_207 : i32
          %get3A_209 = arith.constant 2 : i32
          %get3A_210 = arith.index_cast %scan3A_153 : i32 to index
          %get3A_211 = arith.index_cast %get3A_209 : i32 to index
          %get3A_212 = arith.index_cast %mul3A_208 : i32 to index
          %get3A_213 = tpu.vector_load %arg4[%get3A_210, %get3A_211, %get3A_212] {strides = array<i32>} : memref<8x8x128xf32, #tpu.memory_space<vmem>>, vector<16xf32>,
          %add3A_214 = arith.constant 2 : i32
          %add3A_215 = arith.addi %mul3A_159, %add3A_214 : i32
          %gt3A_216 = arith.cmpf ogt, %get3A_213, %max3A_195 : vector<16xf32>
          %min3A_217 = arith.minimumf %max3A_195, %get3A_213 : vector<16xf32>
          %broadcast_in_dim3A_218 = vector.broadcast %add3A_215 : i32 to vector<16xi32>
          %select_n3A_219 = arith.select %gt3A_216, %select_n3A_197, %broadcast_in_dim3A_218 : vector<16xi1>, vector<16xi32>
          %gt3A_220 = arith.cmpf ogt, %min3A_217, %max3A_198 : vector<16xf32>
          %or3A_221 = arith.ori %gt3A_216, %gt3A_220 : vector<16xi1>
          %max3A_222 = arith.maximumf %max3A_195, %get3A_213 : vector<16xf32>
          %broadcast_in_dim3A_223 = vector.broadcast %add3A_215 : i32 to vector<16xi32>
          %select_n3A_224 = arith.select %gt3A_216, %broadcast_in_dim3A_223, %select_n3A_197 : vector<16xi1>, vector<16xi32>
          %max3A_225 = arith.maximumf %max3A_198, %min3A_217 : vector<16xf32>
          %select_n3A_226 = arith.select %or3A_221, %select_n3A_219, %select_n3A_199 : vector<16xi1>, vector<16xi32>
          %mul3A_227 = arith.constant 16 : i32
          %mul3A_228 = arith.muli %scan3A_132, %mul3A_227 : i32
          %swap3A_229 = arith.constant 2 : i32
          %swap3A_230 = arith.index_cast %scan3A_153 : i32 to index
          %swap3A_231 = arith.index_cast %swap3A_229 : i32 to index
          %swap3A_232 = arith.index_cast %mul3A_228 : i32 to index
          %swap3A_233 = tpu.vector_load %arg6[%swap3A_230, %swap3A_231, %swap3A_232] {strides = array<i32>} : memref<8x8x128xi32, #tpu.memory_space<vmem>>, vector<16xi32>,
          tpu.vector_store %arg6[%swap3A_230, %swap3A_231, %swap3A_232], %broadcast_in_dim3A_3 {strides = array<i32>} : memref<8x8x128xi32, #tpu.memory_space<vmem>>, vector<16xi32>,
          %mul3A_234 = arith.constant 16 : i32
          %mul3A_235 = arith.muli %scan3A_132, %mul3A_234 : i32
          %get3A_236 = arith.constant 3 : i32
          %get3A_237 = arith.index_cast %scan3A_153 : i32 to index
          %get3A_238 = arith.index_cast %get3A_236 : i32 to index
          %get3A_239 = arith.index_cast %mul3A_235 : i32 to index
          %get3A_240 = tpu.vector_load %arg4[%get3A_237, %get3A_238, %get3A_239] {strides = array<i32>} : memref<8x8x128xf32, #tpu.memory_space<vmem>>, vector<16xf32>,
          %add3A_241 = arith.constant 3 : i32
          %add3A_242 = arith.addi %mul3A_159, %add3A_241 : i32
          %gt3A_243 = arith.cmpf ogt, %get3A_240, %max3A_222 : vector<16xf32>
          %min3A_244 = arith.minimumf %max3A_222, %get3A_240 : vector<16xf32>
          %broadcast_in_dim3A_245 = vector.broadcast %add3A_242 : i32 to vector<16xi32>
          %select_n3A_246 = arith.select %gt3A_243, %select_n3A_224, %broadcast_in_dim3A_245 : vector<16xi1>, vector<16xi32>
          %gt3A_247 = arith.cmpf ogt, %min3A_244, %max3A_225 : vector<16xf32>
          %or3A_248 = arith.ori %gt3A_243, %gt3A_247 : vector<16xi1>
          %max3A_249 = arith.maximumf %max3A_222, %get3A_240 : vector<16xf32>
          %broadcast_in_dim3A_250 = vector.broadcast %add3A_242 : i32 to vector<16xi32>
          %select_n3A_251 = arith.select %gt3A_243, %broadcast_in_dim3A_250, %select_n3A_224 : vector<16xi1>, vector<16xi32>
          %max3A_252 = arith.maximumf %max3A_225, %min3A_244 : vector<16xf32>
          %select_n3A_253 = arith.select %or3A_248, %select_n3A_246, %select_n3A_226 : vector<16xi1>, vector<16xi32>
          %mul3A_254 = arith.constant 16 : i32
          %mul3A_255 = arith.muli %scan3A_132, %mul3A_254 : i32
          %swap3A_256 = arith.constant 3 : i32
          %swap3A_257 = arith.index_cast %scan3A_153 : i32 to index
          %swap3A_258 = arith.index_cast %swap3A_256 : i32 to index
          %swap3A_259 = arith.index_cast %mul3A_255 : i32 to index
          %swap3A_260 = tpu.vector_load %arg6[%swap3A_257, %swap3A_258, %swap3A_259] {strides = array<i32>} : memref<8x8x128xi32, #tpu.memory_space<vmem>>, vector<16xi32>,
          tpu.vector_store %arg6[%swap3A_257, %swap3A_258, %swap3A_259], %broadcast_in_dim3A_3 {strides = array<i32>} : memref<8x8x128xi32, #tpu.memory_space<vmem>>, vector<16xi32>,
          %mul3A_261 = arith.constant 16 : i32
          %mul3A_262 = arith.muli %scan3A_132, %mul3A_261 : i32
          %get3A_263 = arith.constant 4 : i32
          %get3A_264 = arith.index_cast %scan3A_153 : i32 to index
          %get3A_265 = arith.index_cast %get3A_263 : i32 to index
          %get3A_266 = arith.index_cast %mul3A_262 : i32 to index
          %get3A_267 = tpu.vector_load %arg4[%get3A_264, %get3A_265, %get3A_266] {strides = array<i32>} : memref<8x8x128xf32, #tpu.memory_space<vmem>>, vector<16xf32>,
          %add3A_268 = arith.constant 4 : i32
          %add3A_269 = arith.addi %mul3A_159, %add3A_268 : i32
          %gt3A_270 = arith.cmpf ogt, %get3A_267, %max3A_249 : vector<16xf32>
          %min3A_271 = arith.minimumf %max3A_249, %get3A_267 : vector<16xf32>
          %broadcast_in_dim3A_272 = vector.broadcast %add3A_269 : i32 to vector<16xi32>
          %select_n3A_273 = arith.select %gt3A_270, %select_n3A_251, %broadcast_in_dim3A_272 : vector<16xi1>, vector<16xi32>
          %gt3A_274 = arith.cmpf ogt, %min3A_271, %max3A_252 : vector<16xf32>
          %or3A_275 = arith.ori %gt3A_270, %gt3A_274 : vector<16xi1>
          %max3A_276 = arith.maximumf %max3A_249, %get3A_267 : vector<16xf32>
          %broadcast_in_dim3A_277 = vector.broadcast %add3A_269 : i32 to vector<16xi32>
          %select_n3A_278 = arith.select %gt3A_270, %broadcast_in_dim3A_277, %select_n3A_251 : vector<16xi1>, vector<16xi32>
          %max3A_279 = arith.maximumf %max3A_252, %min3A_271 : vector<16xf32>
          %select_n3A_280 = arith.select %or3A_275, %select_n3A_273, %select_n3A_253 : vector<16xi1>, vector<16xi32>
          %mul3A_281 = arith.constant 16 : i32
          %mul3A_282 = arith.muli %scan3A_132, %mul3A_281 : i32
          %swap3A_283 = arith.constant 4 : i32
          %swap3A_284 = arith.index_cast %scan3A_153 : i32 to index
          %swap3A_285 = arith.index_cast %swap3A_283 : i32 to index
          %swap3A_286 = arith.index_cast %mul3A_282 : i32 to index
          %swap3A_287 = tpu.vector_load %arg6[%swap3A_284, %swap3A_285, %swap3A_286] {strides = array<i32>} : memref<8x8x128xi32, #tpu.memory_space<vmem>>, vector<16xi32>,
          tpu.vector_store %arg6[%swap3A_284, %swap3A_285, %swap3A_286], %broadcast_in_dim3A_3 {strides = array<i32>} : memref<8x8x128xi32, #tpu.memory_space<vmem>>, vector<16xi32>,
          %mul3A_288 = arith.constant 16 : i32
          %mul3A_289 = arith.muli %scan3A_132, %mul3A_288 : i32
          %get3A_290 = arith.constant 5 : i32
          %get3A_291 = arith.index_cast %scan3A_153 : i32 to index
          %get3A_292 = arith.index_cast %get3A_290 : i32 to index
          %get3A_293 = arith.index_cast %mul3A_289 : i32 to index
          %get3A_294 = tpu.vector_load %arg4[%get3A_291, %get3A_292, %get3A_293] {strides = array<i32>} : memref<8x8x128xf32, #tpu.memory_space<vmem>>, vector<16xf32>,
          %add3A_295 = arith.constant 5 : i32
          %add3A_296 = arith.addi %mul3A_159, %add3A_295 : i32
          %gt3A_297 = arith.cmpf ogt, %get3A_294, %max3A_276 : vector<16xf32>
          %min3A_298 = arith.minimumf %max3A_276, %get3A_294 : vector<16xf32>
          %broadcast_in_dim3A_299 = vector.broadcast %add3A_296 : i32 to vector<16xi32>
          %select_n3A_300 = arith.select %gt3A_297, %select_n3A_278, %broadcast_in_dim3A_299 : vector<16xi1>, vector<16xi32>
          %gt3A_301 = arith.cmpf ogt, %min3A_298, %max3A_279 : vector<16xf32>
          %or3A_302 = arith.ori %gt3A_297, %gt3A_301 : vector<16xi1>
          %max3A_303 = arith.maximumf %max3A_276, %get3A_294 : vector<16xf32>
          %broadcast_in_dim3A_304 = vector.broadcast %add3A_296 : i32 to vector<16xi32>
          %select_n3A_305 = arith.select %gt3A_297, %broadcast_in_dim3A_304, %select_n3A_278 : vector<16xi1>, vector<16xi32>
          %max3A_306 = arith.maximumf %max3A_279, %min3A_298 : vector<16xf32>
          %select_n3A_307 = arith.select %or3A_302, %select_n3A_300, %select_n3A_280 : vector<16xi1>, vector<16xi32>
          %mul3A_308 = arith.constant 16 : i32
          %mul3A_309 = arith.muli %scan3A_132, %mul3A_308 : i32
          %swap3A_310 = arith.constant 5 : i32
          %swap3A_311 = arith.index_cast %scan3A_153 : i32 to index
          %swap3A_312 = arith.index_cast %swap3A_310 : i32 to index
          %swap3A_313 = arith.index_cast %mul3A_309 : i32 to index
          %swap3A_314 = tpu.vector_load %arg6[%swap3A_311, %swap3A_312, %swap3A_313] {strides = array<i32>} : memref<8x8x128xi32, #tpu.memory_space<vmem>>, vector<16xi32>,
          tpu.vector_store %arg6[%swap3A_311, %swap3A_312, %swap3A_313], %broadcast_in_dim3A_3 {strides = array<i32>} : memref<8x8x128xi32, #tpu.memory_space<vmem>>, vector<16xi32>,
          %mul3A_315 = arith.constant 16 : i32
          %mul3A_316 = arith.muli %scan3A_132, %mul3A_315 : i32
          %get3A_317 = arith.constant 6 : i32
          %get3A_318 = arith.index_cast %scan3A_153 : i32 to index
          %get3A_319 = arith.index_cast %get3A_317 : i32 to index
          %get3A_320 = arith.index_cast %mul3A_316 : i32 to index
          %get3A_321 = tpu.vector_load %arg4[%get3A_318, %get3A_319, %get3A_320] {strides = array<i32>} : memref<8x8x128xf32, #tpu.memory_space<vmem>>, vector<16xf32>,
          %add3A_322 = arith.constant 6 : i32
          %add3A_323 = arith.addi %mul3A_159, %add3A_322 : i32
          %gt3A_324 = arith.cmpf ogt, %get3A_321, %max3A_303 : vector<16xf32>
          %min3A_325 = arith.minimumf %max3A_303, %get3A_321 : vector<16xf32>
          %broadcast_in_dim3A_326 = vector.broadcast %add3A_323 : i32 to vector<16xi32>
          %select_n3A_327 = arith.select %gt3A_324, %select_n3A_305, %broadcast_in_dim3A_326 : vector<16xi1>, vector<16xi32>
          %gt3A_328 = arith.cmpf ogt, %min3A_325, %max3A_306 : vector<16xf32>
          %or3A_329 = arith.ori %gt3A_324, %gt3A_328 : vector<16xi1>
          %max3A_330 = arith.maximumf %max3A_303, %get3A_321 : vector<16xf32>
          %broadcast_in_dim3A_331 = vector.broadcast %add3A_323 : i32 to vector<16xi32>
          %select_n3A_332 = arith.select %gt3A_324, %broadcast_in_dim3A_331, %select_n3A_305 : vector<16xi1>, vector<16xi32>
          %max3A_333 = arith.maximumf %max3A_306, %min3A_325 : vector<16xf32>
          %select_n3A_334 = arith.select %or3A_329, %select_n3A_327, %select_n3A_307 : vector<16xi1>, vector<16xi32>
          %mul3A_335 = arith.constant 16 : i32
          %mul3A_336 = arith.muli %scan3A_132, %mul3A_335 : i32
          %swap3A_337 = arith.constant 6 : i32
          %swap3A_338 = arith.index_cast %scan3A_153 : i32 to index
          %swap3A_339 = arith.index_cast %swap3A_337 : i32 to index
          %swap3A_340 = arith.index_cast %mul3A_336 : i32 to index
          %swap3A_341 = tpu.vector_load %arg6[%swap3A_338, %swap3A_339, %swap3A_340] {strides = array<i32>} : memref<8x8x128xi32, #tpu.memory_space<vmem>>, vector<16xi32>,
          tpu.vector_store %arg6[%swap3A_338, %swap3A_339, %swap3A_340], %broadcast_in_dim3A_3 {strides = array<i32>} : memref<8x8x128xi32, #tpu.memory_space<vmem>>, vector<16xi32>,
          %mul3A_342 = arith.constant 16 : i32
          %mul3A_343 = arith.muli %scan3A_132, %mul3A_342 : i32
          %get3A_344 = arith.constant 7 : i32
          %get3A_345 = arith.index_cast %scan3A_153 : i32 to index
          %get3A_346 = arith.index_cast %get3A_344 : i32 to index
          %get3A_347 = arith.index_cast %mul3A_343 : i32 to index
          %get3A_348 = tpu.vector_load %arg4[%get3A_345, %get3A_346, %get3A_347] {strides = array<i32>} : memref<8x8x128xf32, #tpu.memory_space<vmem>>, vector<16xf32>,
          %add3A_349 = arith.constant 7 : i32
          %add3A_350 = arith.addi %mul3A_159, %add3A_349 : i32
          %gt3A_351 = arith.cmpf ogt, %get3A_348, %max3A_330 : vector<16xf32>
          %min3A_352 = arith.minimumf %max3A_330, %get3A_348 : vector<16xf32>
          %broadcast_in_dim3A_353 = vector.broadcast %add3A_350 : i32 to vector<16xi32>
          %select_n3A_354 = arith.select %gt3A_351, %select_n3A_332, %broadcast_in_dim3A_353 : vector<16xi1>, vector<16xi32>
          %gt3A_355 = arith.cmpf ogt, %min3A_352, %max3A_333 : vector<16xf32>
          %or3A_356 = arith.ori %gt3A_351, %gt3A_355 : vector<16xi1>
          %max3A_357 = arith.maximumf %max3A_330, %get3A_348 : vector<16xf32>
          %broadcast_in_dim3A_358 = vector.broadcast %add3A_350 : i32 to vector<16xi32>
          %select_n3A_359 = arith.select %gt3A_351, %broadcast_in_dim3A_358, %select_n3A_332 : vector<16xi1>, vector<16xi32>
          %max3A_360 = arith.maximumf %max3A_333, %min3A_352 : vector<16xf32>
          %select_n3A_361 = arith.select %or3A_356, %select_n3A_354, %select_n3A_334 : vector<16xi1>, vector<16xi32>
          %mul3A_362 = arith.constant 16 : i32
          %mul3A_363 = arith.muli %scan3A_132, %mul3A_362 : i32
          %swap3A_364 = arith.constant 7 : i32
          %swap3A_365 = arith.index_cast %scan3A_153 : i32 to index
          %swap3A_366 = arith.index_cast %swap3A_364 : i32 to index
          %swap3A_367 = arith.index_cast %mul3A_363 : i32 to index
          %swap3A_368 = tpu.vector_load %arg6[%swap3A_365, %swap3A_366, %swap3A_367] {strides = array<i32>} : memref<8x8x128xi32, #tpu.memory_space<vmem>>, vector<16xi32>,
          tpu.vector_store %arg6[%swap3A_365, %swap3A_366, %swap3A_367], %broadcast_in_dim3A_3 {strides = array<i32>} : memref<8x8x128xi32, #tpu.memory_space<vmem>>, vector<16xi32>,
          scf.yield %max3A_357, %max3A_360, %select_n3A_359, %select_n3A_361 : vector<16xf32>, vector<16xf32>, vector<16xi32>, vector<16xi32>
        }
        %scan3A_138 = arith.constant 8 : i32
        %mul3A_139 = arith.constant 16 : i32
        %mul3A_140 = arith.muli %scan3A_132, %mul3A_139 : i32
        %add3A_141 = vector.broadcast %mul3A_140 : i32 to vector<16xi32>
        %add3A_142 = arith.addi %iota3A, %add3A_141 : vector<16xi32>
        %shift_right_arithmetic3A = arith.constant 3 : i32
        %shift_right_arithmetic3A_143 = vector.broadcast %shift_right_arithmetic3A : i32 to vector<16xi32>
        %shift_right_arithmetic3A_144 = arith.shrsi %scan3A_137#2, %shift_right_arithmetic3A_143 : vector<16xi32>
        %and3A = arith.constant 7 : i32
        %and3A_145 = vector.broadcast %and3A : i32 to vector<16xi32>
        %and3A_146 = arith.andi %scan3A_137#2, %and3A_145 : vector<16xi32>
        tpu.vector_store_idx %arg6[%shift_right_arithmetic3A_144, %and3A_146, %add3A_142], %broadcast_in_dim3A_5 : memref<8x8x128xi32, #tpu.memory_space<vmem>>[vector<16xi32>, vector<16xi32>, vector<16xi32>], vector<16xi32>,
        %shift_right_arithmetic3A_147 = arith.constant 3 : i32
        %shift_right_arithmetic3A_148 = vector.broadcast %shift_right_arithmetic3A_147 : i32 to vector<16xi32>
        %shift_right_arithmetic3A_149 = arith.shrsi %scan3A_137#3, %shift_right_arithmetic3A_148 : vector<16xi32>
        %and3A_150 = arith.constant 7 : i32
        %and3A_151 = vector.broadcast %and3A_150 : i32 to vector<16xi32>
        %and3A_152 = arith.andi %scan3A_137#3, %and3A_151 : vector<16xi32>
        tpu.vector_store_idx %arg6[%shift_right_arithmetic3A_149, %and3A_152, %add3A_142], %broadcast_in_dim3A_5 : memref<8x8x128xi32, #tpu.memory_space<vmem>>[vector<16xi32>, vector<16xi32>, vector<16xi32>], vector<16xi32>,
      }
      %scan3A_76 = arith.constant 8 : i32
      %add3A_77 = arith.addi %mul3A_2, %add3A_51 : i32
      %dma_start3A_78 = arith.constant 0 : i32
      %dma_start3A_79 = arith.constant 0 : i32
      %dma_start3A_80 = arith.constant 0 : i32
      %dma_start3A_81 = tpu.memref_slice %arg3[%dma_start3A_78, %add3A_77, %dma_start3A_79, %dma_start3A_80] : memref<8x256x8x128xi32, #tpu.memory_space<hbm>> -> memref<8x1x8x128xi32, #tpu.memory_space<hbm>>
      %dma_start3A_82 = tpu.memref_squeeze %dma_start3A_81 : memref<8x1x8x128xi32, #tpu.memory_space<hbm>> -> memref<8x8x128xi32, #tpu.memory_space<hbm>>
      %dma_start3A_83 = arith.constant 0 : i32
      %dma_start3A_84 = arith.constant 0 : i32
      %dma_start3A_85 = arith.constant 0 : i32
      %dma_start3A_86 = tpu.memref_slice %arg3[%dma_start3A_83, %add3A_77, %dma_start3A_84, %dma_start3A_85] : memref<8x256x8x128xi32, #tpu.memory_space<hbm>> -> memref<8x1x8x128xi32, #tpu.memory_space<hbm>>
      %dma_start3A_87 = tpu.memref_squeeze %dma_start3A_86 : memref<8x1x8x128xi32, #tpu.memory_space<hbm>> -> memref<8x8x128xi32, #tpu.memory_space<hbm>>
      tpu.enqueue_dma source(%arg6 : memref<8x8x128xi32, #tpu.memory_space<vmem>>) target(%dma_start3A_87 : memref<8x8x128xi32, #tpu.memory_space<hbm>>) target_semaphore(%arg10 : memref<!tpu.dma_semaphore, #tpu.memory_space<semaphore_mem>>)
      %mul3A_88 = arith.constant 2 : i32
      %mul3A_89 = arith.muli %scan3A_47, %mul3A_88 : i32
      %add3A_90 = arith.constant 1 : i32
      %add3A_91 = arith.addi %mul3A_89, %add3A_90 : i32
      %add3A_92 = arith.addi %mul3A_2, %add3A_91 : i32
      %dma_wait3A_93 = arith.constant 0 : i32
      %dma_wait3A_94 = arith.constant 0 : i32
      %dma_wait3A_95 = arith.constant 0 : i32
      %dma_wait3A_96 = tpu.memref_slice %arg2[%dma_wait3A_93, %add3A_92, %dma_wait3A_94, %dma_wait3A_95] : memref<8x256x8x128xf32, #tpu.memory_space<hbm>> -> memref<8x1x8x128xf32, #tpu.memory_space<hbm>>
      %dma_wait3A_97 = tpu.memref_squeeze %dma_wait3A_96 : memref<8x1x8x128xf32, #tpu.memory_space<hbm>> -> memref<8x8x128xf32, #tpu.memory_space<hbm>>
      %dma_wait3A_98 = arith.constant 0 : i32
      %dma_wait3A_99 = arith.constant 0 : i32
      %dma_wait3A_100 = arith.constant 0 : i32
      %dma_wait3A_101 = tpu.memref_slice %arg2[%dma_wait3A_98, %add3A_92, %dma_wait3A_99, %dma_wait3A_100] : memref<8x256x8x128xf32, #tpu.memory_space<hbm>> -> memref<8x1x8x128xf32, #tpu.memory_space<hbm>>
      %dma_wait3A_102 = tpu.memref_squeeze %dma_wait3A_101 : memref<8x1x8x128xf32, #tpu.memory_space<hbm>> -> memref<8x8x128xf32, #tpu.memory_space<hbm>>
      tpu.wait_dma2 semaphore(%arg9 : memref<!tpu.dma_semaphore, #tpu.memory_space<semaphore_mem>>) src(%dma_wait3A_102 : memref<8x8x128xf32, #tpu.memory_space<hbm>>) dst(%arg5 : memref<8x8x128xf32, #tpu.memory_space<vmem>>)
      %add3A_103 = arith.constant 1 : i32
      %add3A_104 = arith.addi %add3A_91, %add3A_103 : i32
      %lt3A_105 = arith.constant 8 : i32
      %lt3A_106 = arith.cmpi slt, %add3A_104, %lt3A_105 : i32
      %convert_element_type3A_107 = arith.extui %lt3A_106 : i1 to i32
      %cond3A_108 = arith.constant 0 : i32
      %cond3A_109 = arith.cmpi ne, %convert_element_type3A_107, %cond3A_108 : i32
      scf.if %cond3A_109 {
        %add3A_132 = arith.constant 1 : i32
        %add3A_133 = arith.addi %add3A_91, %add3A_132 : i32
        %add3A_134 = arith.addi %mul3A_2, %add3A_133 : i32
        %dma_start3A_135 = arith.constant 0 : i32
        %dma_start3A_136 = arith.constant 0 : i32
        %dma_start3A_137 = arith.constant 0 : i32
        %dma_start3A_138 = tpu.memref_slice %arg2[%dma_start3A_135, %add3A_134, %dma_start3A_136, %dma_start3A_137] : memref<8x256x8x128xf32, #tpu.memory_space<hbm>> -> memref<8x1x8x128xf32, #tpu.memory_space<hbm>>
        %dma_start3A_139 = tpu.memref_squeeze %dma_start3A_138 : memref<8x1x8x128xf32, #tpu.memory_space<hbm>> -> memref<8x8x128xf32, #tpu.memory_space<hbm>>
        %dma_start3A_140 = arith.constant 0 : i32
        %dma_start3A_141 = arith.constant 0 : i32
        %dma_start3A_142 = arith.constant 0 : i32
        %dma_start3A_143 = tpu.memref_slice %arg2[%dma_start3A_140, %add3A_134, %dma_start3A_141, %dma_start3A_142] : memref<8x256x8x128xf32, #tpu.memory_space<hbm>> -> memref<8x1x8x128xf32, #tpu.memory_space<hbm>>
        %dma_start3A_144 = tpu.memref_squeeze %dma_start3A_143 : memref<8x1x8x128xf32, #tpu.memory_space<hbm>> -> memref<8x8x128xf32, #tpu.memory_space<hbm>>
        tpu.enqueue_dma source(%dma_start3A_144 : memref<8x8x128xf32, #tpu.memory_space<hbm>>) target(%arg4 : memref<8x8x128xf32, #tpu.memory_space<vmem>>) target_semaphore(%arg8 : memref<!tpu.dma_semaphore, #tpu.memory_space<semaphore_mem>>)
      } else {
      }
      %ge3A_110 = arith.constant 2 : i32
      %ge3A_111 = arith.cmpi sge, %add3A_91, %ge3A_110 : i32
      %convert_element_type3A_112 = arith.extui %ge3A_111 : i1 to i32
      %cond3A_113 = arith.constant 0 : i32
      %cond3A_114 = arith.cmpi ne, %convert_element_type3A_112, %cond3A_113 : i32
      scf.if %cond3A_114 {
        %sub3A = arith.constant 2 : i32
        %sub3A_132 = arith.subi %add3A_91, %sub3A : i32
        %add3A_133 = arith.addi %mul3A_2, %sub3A_132 : i32
        %dma_wait3A_134 = arith.constant 0 : i32
        %dma_wait3A_135 = arith.constant 0 : i32
        %dma_wait3A_136 = arith.constant 0 : i32
        %dma_wait3A_137 = tpu.memref_slice %arg3[%dma_wait3A_134, %add3A_133, %dma_wait3A_135, %dma_wait3A_136] : memref<8x256x8x128xi32, #tpu.memory_space<hbm>> -> memref<8x1x8x128xi32, #tpu.memory_space<hbm>>
        %dma_wait3A_138 = tpu.memref_squeeze %dma_wait3A_137 : memref<8x1x8x128xi32, #tpu.memory_space<hbm>> -> memref<8x8x128xi32, #tpu.memory_space<hbm>>
        %dma_wait3A_139 = arith.constant 0 : i32
        %dma_wait3A_140 = arith.constant 0 : i32
        %dma_wait3A_141 = arith.constant 0 : i32
        %dma_wait3A_142 = tpu.memref_slice %arg3[%dma_wait3A_139, %add3A_133, %dma_wait3A_140, %dma_wait3A_141] : memref<8x256x8x128xi32, #tpu.memory_space<hbm>> -> memref<8x1x8x128xi32, #tpu.memory_space<hbm>>
        %dma_wait3A_143 = tpu.memref_squeeze %dma_wait3A_142 : memref<8x1x8x128xi32, #tpu.memory_space<hbm>> -> memref<8x8x128xi32, #tpu.memory_space<hbm>>
        tpu.wait_dma2 semaphore(%arg11 : memref<!tpu.dma_semaphore, #tpu.memory_space<semaphore_mem>>) src(%arg7 : memref<8x8x128xi32, #tpu.memory_space<vmem>>) dst(%dma_wait3A_143 : memref<8x8x128xi32, #tpu.memory_space<hbm>>)
      } else {
      }
      %scan3A_115 = arith.constant 0 : i32
      %scan3A_116 = arith.constant 0 : i32
      %scan3A_117 = arith.constant 8 : i32
      %scan3A_118 = arith.addi %scan3A_116, %scan3A_117 : i32
      %scan3A_119 = arith.constant 1 : i32
      scf.for %scan3A_132 = %scan3A_116 to %scan3A_118 step %scan3A_119  : i32 {
        %scan3A_133 = arith.constant 0 : i32
        %scan3A_134 = arith.constant 8 : i32
        %scan3A_135 = arith.addi %scan3A_133, %scan3A_134 : i32
        %scan3A_136 = arith.constant 1 : i32
        %scan3A_137:4 = scf.for %scan3A_153 = %scan3A_133 to %scan3A_135 step %scan3A_136 iter_args(%scan3A_154 = %broadcast_in_dim3A_7, %scan3A_155 = %broadcast_in_dim3A_7, %scan3A_156 = %broadcast_in_dim3A_3, %scan3A_157 = %broadcast_in_dim3A_3) -> (vector<16xf32>, vector<16xf32>, vector<16xi32>, vector<16xi32>)  : i32 {
          %mul3A_158 = arith.constant 8 : i32
          %mul3A_159 = arith.muli %scan3A_153, %mul3A_158 : i32
          %mul3A_160 = arith.constant 16 : i32
          %mul3A_161 = arith.muli %scan3A_132, %mul3A_160 : i32
          %get3A = arith.constant 0 : i32
          %get3A_162 = arith.index_cast %scan3A_153 : i32 to index
          %get3A_163 = arith.index_cast %get3A : i32 to index
          %get3A_164 = arith.index_cast %mul3A_161 : i32 to index
          %get3A_165 = tpu.vector_load %arg5[%get3A_162, %get3A_163, %get3A_164] {strides = array<i32>} : memref<8x8x128xf32, #tpu.memory_space<vmem>>, vector<16xf32>,
          %add3A_166 = arith.constant 0 : i32
          %add3A_167 = arith.addi %mul3A_159, %add3A_166 : i32
          %gt3A = arith.cmpf ogt, %get3A_165, %scan3A_154 : vector<16xf32>
          %min3A = arith.minimumf %scan3A_154, %get3A_165 : vector<16xf32>
          %broadcast_in_dim3A_168 = vector.broadcast %add3A_167 : i32 to vector<16xi32>
          %select_n3A = arith.select %gt3A, %scan3A_156, %broadcast_in_dim3A_168 : vector<16xi1>, vector<16xi32>
          %gt3A_169 = arith.cmpf ogt, %min3A, %scan3A_155 : vector<16xf32>
          %or3A = arith.ori %gt3A, %gt3A_169 : vector<16xi1>
          %max3A = arith.maximumf %scan3A_154, %get3A_165 : vector<16xf32>
          %broadcast_in_dim3A_170 = vector.broadcast %add3A_167 : i32 to vector<16xi32>
          %select_n3A_171 = arith.select %gt3A, %broadcast_in_dim3A_170, %scan3A_156 : vector<16xi1>, vector<16xi32>
          %max3A_172 = arith.maximumf %scan3A_155, %min3A : vector<16xf32>
          %select_n3A_173 = arith.select %or3A, %select_n3A, %scan3A_157 : vector<16xi1>, vector<16xi32>
          %mul3A_174 = arith.constant 16 : i32
          %mul3A_175 = arith.muli %scan3A_132, %mul3A_174 : i32
          %swap3A = arith.constant 0 : i32
          %swap3A_176 = arith.index_cast %scan3A_153 : i32 to index
          %swap3A_177 = arith.index_cast %swap3A : i32 to index
          %swap3A_178 = arith.index_cast %mul3A_175 : i32 to index
          %swap3A_179 = tpu.vector_load %arg7[%swap3A_176, %swap3A_177, %swap3A_178] {strides = array<i32>} : memref<8x8x128xi32, #tpu.memory_space<vmem>>, vector<16xi32>,
          tpu.vector_store %arg7[%swap3A_176, %swap3A_177, %swap3A_178], %broadcast_in_dim3A_3 {strides = array<i32>} : memref<8x8x128xi32, #tpu.memory_space<vmem>>, vector<16xi32>,
          %mul3A_180 = arith.constant 16 : i32
          %mul3A_181 = arith.muli %scan3A_132, %mul3A_180 : i32
          %get3A_182 = arith.constant 1 : i32
          %get3A_183 = arith.index_cast %scan3A_153 : i32 to index
          %get3A_184 = arith.index_cast %get3A_182 : i32 to index
          %get3A_185 = arith.index_cast %mul3A_181 : i32 to index
          %get3A_186 = tpu.vector_load %arg5[%get3A_183, %get3A_184, %get3A_185] {strides = array<i32>} : memref<8x8x128xf32, #tpu.memory_space<vmem>>, vector<16xf32>,
          %add3A_187 = arith.constant 1 : i32
          %add3A_188 = arith.addi %mul3A_159, %add3A_187 : i32
          %gt3A_189 = arith.cmpf ogt, %get3A_186, %max3A : vector<16xf32>
          %min3A_190 = arith.minimumf %max3A, %get3A_186 : vector<16xf32>
          %broadcast_in_dim3A_191 = vector.broadcast %add3A_188 : i32 to vector<16xi32>
          %select_n3A_192 = arith.select %gt3A_189, %select_n3A_171, %broadcast_in_dim3A_191 : vector<16xi1>, vector<16xi32>
          %gt3A_193 = arith.cmpf ogt, %min3A_190, %max3A_172 : vector<16xf32>
          %or3A_194 = arith.ori %gt3A_189, %gt3A_193 : vector<16xi1>
          %max3A_195 = arith.maximumf %max3A, %get3A_186 : vector<16xf32>
          %broadcast_in_dim3A_196 = vector.broadcast %add3A_188 : i32 to vector<16xi32>
          %select_n3A_197 = arith.select %gt3A_189, %broadcast_in_dim3A_196, %select_n3A_171 : vector<16xi1>, vector<16xi32>
          %max3A_198 = arith.maximumf %max3A_172, %min3A_190 : vector<16xf32>
          %select_n3A_199 = arith.select %or3A_194, %select_n3A_192, %select_n3A_173 : vector<16xi1>, vector<16xi32>
          %mul3A_200 = arith.constant 16 : i32
          %mul3A_201 = arith.muli %scan3A_132, %mul3A_200 : i32
          %swap3A_202 = arith.constant 1 : i32
          %swap3A_203 = arith.index_cast %scan3A_153 : i32 to index
          %swap3A_204 = arith.index_cast %swap3A_202 : i32 to index
          %swap3A_205 = arith.index_cast %mul3A_201 : i32 to index
          %swap3A_206 = tpu.vector_load %arg7[%swap3A_203, %swap3A_204, %swap3A_205] {strides = array<i32>} : memref<8x8x128xi32, #tpu.memory_space<vmem>>, vector<16xi32>,
          tpu.vector_store %arg7[%swap3A_203, %swap3A_204, %swap3A_205], %broadcast_in_dim3A_3 {strides = array<i32>} : memref<8x8x128xi32, #tpu.memory_space<vmem>>, vector<16xi32>,
          %mul3A_207 = arith.constant 16 : i32
          %mul3A_208 = arith.muli %scan3A_132, %mul3A_207 : i32
          %get3A_209 = arith.constant 2 : i32
          %get3A_210 = arith.index_cast %scan3A_153 : i32 to index
          %get3A_211 = arith.index_cast %get3A_209 : i32 to index
          %get3A_212 = arith.index_cast %mul3A_208 : i32 to index
          %get3A_213 = tpu.vector_load %arg5[%get3A_210, %get3A_211, %get3A_212] {strides = array<i32>} : memref<8x8x128xf32, #tpu.memory_space<vmem>>, vector<16xf32>,
          %add3A_214 = arith.constant 2 : i32
          %add3A_215 = arith.addi %mul3A_159, %add3A_214 : i32
          %gt3A_216 = arith.cmpf ogt, %get3A_213, %max3A_195 : vector<16xf32>
          %min3A_217 = arith.minimumf %max3A_195, %get3A_213 : vector<16xf32>
          %broadcast_in_dim3A_218 = vector.broadcast %add3A_215 : i32 to vector<16xi32>
          %select_n3A_219 = arith.select %gt3A_216, %select_n3A_197, %broadcast_in_dim3A_218 : vector<16xi1>, vector<16xi32>
          %gt3A_220 = arith.cmpf ogt, %min3A_217, %max3A_198 : vector<16xf32>
          %or3A_221 = arith.ori %gt3A_216, %gt3A_220 : vector<16xi1>
          %max3A_222 = arith.maximumf %max3A_195, %get3A_213 : vector<16xf32>
          %broadcast_in_dim3A_223 = vector.broadcast %add3A_215 : i32 to vector<16xi32>
          %select_n3A_224 = arith.select %gt3A_216, %broadcast_in_dim3A_223, %select_n3A_197 : vector<16xi1>, vector<16xi32>
          %max3A_225 = arith.maximumf %max3A_198, %min3A_217 : vector<16xf32>
          %select_n3A_226 = arith.select %or3A_221, %select_n3A_219, %select_n3A_199 : vector<16xi1>, vector<16xi32>
          %mul3A_227 = arith.constant 16 : i32
          %mul3A_228 = arith.muli %scan3A_132, %mul3A_227 : i32
          %swap3A_229 = arith.constant 2 : i32
          %swap3A_230 = arith.index_cast %scan3A_153 : i32 to index
          %swap3A_231 = arith.index_cast %swap3A_229 : i32 to index
          %swap3A_232 = arith.index_cast %mul3A_228 : i32 to index
          %swap3A_233 = tpu.vector_load %arg7[%swap3A_230, %swap3A_231, %swap3A_232] {strides = array<i32>} : memref<8x8x128xi32, #tpu.memory_space<vmem>>, vector<16xi32>,
          tpu.vector_store %arg7[%swap3A_230, %swap3A_231, %swap3A_232], %broadcast_in_dim3A_3 {strides = array<i32>} : memref<8x8x128xi32, #tpu.memory_space<vmem>>, vector<16xi32>,
          %mul3A_234 = arith.constant 16 : i32
          %mul3A_235 = arith.muli %scan3A_132, %mul3A_234 : i32
          %get3A_236 = arith.constant 3 : i32
          %get3A_237 = arith.index_cast %scan3A_153 : i32 to index
          %get3A_238 = arith.index_cast %get3A_236 : i32 to index
          %get3A_239 = arith.index_cast %mul3A_235 : i32 to index
          %get3A_240 = tpu.vector_load %arg5[%get3A_237, %get3A_238, %get3A_239] {strides = array<i32>} : memref<8x8x128xf32, #tpu.memory_space<vmem>>, vector<16xf32>,
          %add3A_241 = arith.constant 3 : i32
          %add3A_242 = arith.addi %mul3A_159, %add3A_241 : i32
          %gt3A_243 = arith.cmpf ogt, %get3A_240, %max3A_222 : vector<16xf32>
          %min3A_244 = arith.minimumf %max3A_222, %get3A_240 : vector<16xf32>
          %broadcast_in_dim3A_245 = vector.broadcast %add3A_242 : i32 to vector<16xi32>
          %select_n3A_246 = arith.select %gt3A_243, %select_n3A_224, %broadcast_in_dim3A_245 : vector<16xi1>, vector<16xi32>
          %gt3A_247 = arith.cmpf ogt, %min3A_244, %max3A_225 : vector<16xf32>
          %or3A_248 = arith.ori %gt3A_243, %gt3A_247 : vector<16xi1>
          %max3A_249 = arith.maximumf %max3A_222, %get3A_240 : vector<16xf32>
          %broadcast_in_dim3A_250 = vector.broadcast %add3A_242 : i32 to vector<16xi32>
          %select_n3A_251 = arith.select %gt3A_243, %broadcast_in_dim3A_250, %select_n3A_224 : vector<16xi1>, vector<16xi32>
          %max3A_252 = arith.maximumf %max3A_225, %min3A_244 : vector<16xf32>
          %select_n3A_253 = arith.select %or3A_248, %select_n3A_246, %select_n3A_226 : vector<16xi1>, vector<16xi32>
          %mul3A_254 = arith.constant 16 : i32
          %mul3A_255 = arith.muli %scan3A_132, %mul3A_254 : i32
          %swap3A_256 = arith.constant 3 : i32
          %swap3A_257 = arith.index_cast %scan3A_153 : i32 to index
          %swap3A_258 = arith.index_cast %swap3A_256 : i32 to index
          %swap3A_259 = arith.index_cast %mul3A_255 : i32 to index
          %swap3A_260 = tpu.vector_load %arg7[%swap3A_257, %swap3A_258, %swap3A_259] {strides = array<i32>} : memref<8x8x128xi32, #tpu.memory_space<vmem>>, vector<16xi32>,
          tpu.vector_store %arg7[%swap3A_257, %swap3A_258, %swap3A_259], %broadcast_in_dim3A_3 {strides = array<i32>} : memref<8x8x128xi32, #tpu.memory_space<vmem>>, vector<16xi32>,
          %mul3A_261 = arith.constant 16 : i32
          %mul3A_262 = arith.muli %scan3A_132, %mul3A_261 : i32
          %get3A_263 = arith.constant 4 : i32
          %get3A_264 = arith.index_cast %scan3A_153 : i32 to index
          %get3A_265 = arith.index_cast %get3A_263 : i32 to index
          %get3A_266 = arith.index_cast %mul3A_262 : i32 to index
          %get3A_267 = tpu.vector_load %arg5[%get3A_264, %get3A_265, %get3A_266] {strides = array<i32>} : memref<8x8x128xf32, #tpu.memory_space<vmem>>, vector<16xf32>,
          %add3A_268 = arith.constant 4 : i32
          %add3A_269 = arith.addi %mul3A_159, %add3A_268 : i32
          %gt3A_270 = arith.cmpf ogt, %get3A_267, %max3A_249 : vector<16xf32>
          %min3A_271 = arith.minimumf %max3A_249, %get3A_267 : vector<16xf32>
          %broadcast_in_dim3A_272 = vector.broadcast %add3A_269 : i32 to vector<16xi32>
          %select_n3A_273 = arith.select %gt3A_270, %select_n3A_251, %broadcast_in_dim3A_272 : vector<16xi1>, vector<16xi32>
          %gt3A_274 = arith.cmpf ogt, %min3A_271, %max3A_252 : vector<16xf32>
          %or3A_275 = arith.ori %gt3A_270, %gt3A_274 : vector<16xi1>
          %max3A_276 = arith.maximumf %max3A_249, %get3A_267 : vector<16xf32>
          %broadcast_in_dim3A_277 = vector.broadcast %add3A_269 : i32 to vector<16xi32>
          %select_n3A_278 = arith.select %gt3A_270, %broadcast_in_dim3A_277, %select_n3A_251 : vector<16xi1>, vector<16xi32>
          %max3A_279 = arith.maximumf %max3A_252, %min3A_271 : vector<16xf32>
          %select_n3A_280 = arith.select %or3A_275, %select_n3A_273, %select_n3A_253 : vector<16xi1>, vector<16xi32>
          %mul3A_281 = arith.constant 16 : i32
          %mul3A_282 = arith.muli %scan3A_132, %mul3A_281 : i32
          %swap3A_283 = arith.constant 4 : i32
          %swap3A_284 = arith.index_cast %scan3A_153 : i32 to index
          %swap3A_285 = arith.index_cast %swap3A_283 : i32 to index
          %swap3A_286 = arith.index_cast %mul3A_282 : i32 to index
          %swap3A_287 = tpu.vector_load %arg7[%swap3A_284, %swap3A_285, %swap3A_286] {strides = array<i32>} : memref<8x8x128xi32, #tpu.memory_space<vmem>>, vector<16xi32>,
          tpu.vector_store %arg7[%swap3A_284, %swap3A_285, %swap3A_286], %broadcast_in_dim3A_3 {strides = array<i32>} : memref<8x8x128xi32, #tpu.memory_space<vmem>>, vector<16xi32>,
          %mul3A_288 = arith.constant 16 : i32
          %mul3A_289 = arith.muli %scan3A_132, %mul3A_288 : i32
          %get3A_290 = arith.constant 5 : i32
          %get3A_291 = arith.index_cast %scan3A_153 : i32 to index
          %get3A_292 = arith.index_cast %get3A_290 : i32 to index
          %get3A_293 = arith.index_cast %mul3A_289 : i32 to index
          %get3A_294 = tpu.vector_load %arg5[%get3A_291, %get3A_292, %get3A_293] {strides = array<i32>} : memref<8x8x128xf32, #tpu.memory_space<vmem>>, vector<16xf32>,
          %add3A_295 = arith.constant 5 : i32
          %add3A_296 = arith.addi %mul3A_159, %add3A_295 : i32
          %gt3A_297 = arith.cmpf ogt, %get3A_294, %max3A_276 : vector<16xf32>
          %min3A_298 = arith.minimumf %max3A_276, %get3A_294 : vector<16xf32>
          %broadcast_in_dim3A_299 = vector.broadcast %add3A_296 : i32 to vector<16xi32>
          %select_n3A_300 = arith.select %gt3A_297, %select_n3A_278, %broadcast_in_dim3A_299 : vector<16xi1>, vector<16xi32>
          %gt3A_301 = arith.cmpf ogt, %min3A_298, %max3A_279 : vector<16xf32>
          %or3A_302 = arith.ori %gt3A_297, %gt3A_301 : vector<16xi1>
          %max3A_303 = arith.maximumf %max3A_276, %get3A_294 : vector<16xf32>
          %broadcast_in_dim3A_304 = vector.broadcast %add3A_296 : i32 to vector<16xi32>
          %select_n3A_305 = arith.select %gt3A_297, %broadcast_in_dim3A_304, %select_n3A_278 : vector<16xi1>, vector<16xi32>
          %max3A_306 = arith.maximumf %max3A_279, %min3A_298 : vector<16xf32>
          %select_n3A_307 = arith.select %or3A_302, %select_n3A_300, %select_n3A_280 : vector<16xi1>, vector<16xi32>
          %mul3A_308 = arith.constant 16 : i32
          %mul3A_309 = arith.muli %scan3A_132, %mul3A_308 : i32
          %swap3A_310 = arith.constant 5 : i32
          %swap3A_311 = arith.index_cast %scan3A_153 : i32 to index
          %swap3A_312 = arith.index_cast %swap3A_310 : i32 to index
          %swap3A_313 = arith.index_cast %mul3A_309 : i32 to index
          %swap3A_314 = tpu.vector_load %arg7[%swap3A_311, %swap3A_312, %swap3A_313] {strides = array<i32>} : memref<8x8x128xi32, #tpu.memory_space<vmem>>, vector<16xi32>,
          tpu.vector_store %arg7[%swap3A_311, %swap3A_312, %swap3A_313], %broadcast_in_dim3A_3 {strides = array<i32>} : memref<8x8x128xi32, #tpu.memory_space<vmem>>, vector<16xi32>,
          %mul3A_315 = arith.constant 16 : i32
          %mul3A_316 = arith.muli %scan3A_132, %mul3A_315 : i32
          %get3A_317 = arith.constant 6 : i32
          %get3A_318 = arith.index_cast %scan3A_153 : i32 to index
          %get3A_319 = arith.index_cast %get3A_317 : i32 to index
          %get3A_320 = arith.index_cast %mul3A_316 : i32 to index
          %get3A_321 = tpu.vector_load %arg5[%get3A_318, %get3A_319, %get3A_320] {strides = array<i32>} : memref<8x8x128xf32, #tpu.memory_space<vmem>>, vector<16xf32>,
          %add3A_322 = arith.constant 6 : i32
          %add3A_323 = arith.addi %mul3A_159, %add3A_322 : i32
          %gt3A_324 = arith.cmpf ogt, %get3A_321, %max3A_303 : vector<16xf32>
          %min3A_325 = arith.minimumf %max3A_303, %get3A_321 : vector<16xf32>
          %broadcast_in_dim3A_326 = vector.broadcast %add3A_323 : i32 to vector<16xi32>
          %select_n3A_327 = arith.select %gt3A_324, %select_n3A_305, %broadcast_in_dim3A_326 : vector<16xi1>, vector<16xi32>
          %gt3A_328 = arith.cmpf ogt, %min3A_325, %max3A_306 : vector<16xf32>
          %or3A_329 = arith.ori %gt3A_324, %gt3A_328 : vector<16xi1>
          %max3A_330 = arith.maximumf %max3A_303, %get3A_321 : vector<16xf32>
          %broadcast_in_dim3A_331 = vector.broadcast %add3A_323 : i32 to vector<16xi32>
          %select_n3A_332 = arith.select %gt3A_324, %broadcast_in_dim3A_331, %select_n3A_305 : vector<16xi1>, vector<16xi32>
          %max3A_333 = arith.maximumf %max3A_306, %min3A_325 : vector<16xf32>
          %select_n3A_334 = arith.select %or3A_329, %select_n3A_327, %select_n3A_307 : vector<16xi1>, vector<16xi32>
          %mul3A_335 = arith.constant 16 : i32
          %mul3A_336 = arith.muli %scan3A_132, %mul3A_335 : i32
          %swap3A_337 = arith.constant 6 : i32
          %swap3A_338 = arith.index_cast %scan3A_153 : i32 to index
          %swap3A_339 = arith.index_cast %swap3A_337 : i32 to index
          %swap3A_340 = arith.index_cast %mul3A_336 : i32 to index
          %swap3A_341 = tpu.vector_load %arg7[%swap3A_338, %swap3A_339, %swap3A_340] {strides = array<i32>} : memref<8x8x128xi32, #tpu.memory_space<vmem>>, vector<16xi32>,
          tpu.vector_store %arg7[%swap3A_338, %swap3A_339, %swap3A_340], %broadcast_in_dim3A_3 {strides = array<i32>} : memref<8x8x128xi32, #tpu.memory_space<vmem>>, vector<16xi32>,
          %mul3A_342 = arith.constant 16 : i32
          %mul3A_343 = arith.muli %scan3A_132, %mul3A_342 : i32
          %get3A_344 = arith.constant 7 : i32
          %get3A_345 = arith.index_cast %scan3A_153 : i32 to index
          %get3A_346 = arith.index_cast %get3A_344 : i32 to index
          %get3A_347 = arith.index_cast %mul3A_343 : i32 to index
          %get3A_348 = tpu.vector_load %arg5[%get3A_345, %get3A_346, %get3A_347] {strides = array<i32>} : memref<8x8x128xf32, #tpu.memory_space<vmem>>, vector<16xf32>,
          %add3A_349 = arith.constant 7 : i32
          %add3A_350 = arith.addi %mul3A_159, %add3A_349 : i32
          %gt3A_351 = arith.cmpf ogt, %get3A_348, %max3A_330 : vector<16xf32>
          %min3A_352 = arith.minimumf %max3A_330, %get3A_348 : vector<16xf32>
          %broadcast_in_dim3A_353 = vector.broadcast %add3A_350 : i32 to vector<16xi32>
          %select_n3A_354 = arith.select %gt3A_351, %select_n3A_332, %broadcast_in_dim3A_353 : vector<16xi1>, vector<16xi32>
          %gt3A_355 = arith.cmpf ogt, %min3A_352, %max3A_333 : vector<16xf32>
          %or3A_356 = arith.ori %gt3A_351, %gt3A_355 : vector<16xi1>
          %max3A_357 = arith.maximumf %max3A_330, %get3A_348 : vector<16xf32>
          %broadcast_in_dim3A_358 = vector.broadcast %add3A_350 : i32 to vector<16xi32>
          %select_n3A_359 = arith.select %gt3A_351, %broadcast_in_dim3A_358, %select_n3A_332 : vector<16xi1>, vector<16xi32>
          %max3A_360 = arith.maximumf %max3A_333, %min3A_352 : vector<16xf32>
          %select_n3A_361 = arith.select %or3A_356, %select_n3A_354, %select_n3A_334 : vector<16xi1>, vector<16xi32>
          %mul3A_362 = arith.constant 16 : i32
          %mul3A_363 = arith.muli %scan3A_132, %mul3A_362 : i32
          %swap3A_364 = arith.constant 7 : i32
          %swap3A_365 = arith.index_cast %scan3A_153 : i32 to index
          %swap3A_366 = arith.index_cast %swap3A_364 : i32 to index
          %swap3A_367 = arith.index_cast %mul3A_363 : i32 to index
          %swap3A_368 = tpu.vector_load %arg7[%swap3A_365, %swap3A_366, %swap3A_367] {strides = array<i32>} : memref<8x8x128xi32, #tpu.memory_space<vmem>>, vector<16xi32>,
          tpu.vector_store %arg7[%swap3A_365, %swap3A_366, %swap3A_367], %broadcast_in_dim3A_3 {strides = array<i32>} : memref<8x8x128xi32, #tpu.memory_space<vmem>>, vector<16xi32>,
          scf.yield %max3A_357, %max3A_360, %select_n3A_359, %select_n3A_361 : vector<16xf32>, vector<16xf32>, vector<16xi32>, vector<16xi32>
        }
        %scan3A_138 = arith.constant 8 : i32
        %mul3A_139 = arith.constant 16 : i32
        %mul3A_140 = arith.muli %scan3A_132, %mul3A_139 : i32
        %add3A_141 = vector.broadcast %mul3A_140 : i32 to vector<16xi32>
        %add3A_142 = arith.addi %iota3A, %add3A_141 : vector<16xi32>
        %shift_right_arithmetic3A = arith.constant 3 : i32
        %shift_right_arithmetic3A_143 = vector.broadcast %shift_right_arithmetic3A : i32 to vector<16xi32>
        %shift_right_arithmetic3A_144 = arith.shrsi %scan3A_137#2, %shift_right_arithmetic3A_143 : vector<16xi32>
        %and3A = arith.constant 7 : i32
        %and3A_145 = vector.broadcast %and3A : i32 to vector<16xi32>
        %and3A_146 = arith.andi %scan3A_137#2, %and3A_145 : vector<16xi32>
        tpu.vector_store_idx %arg7[%shift_right_arithmetic3A_144, %and3A_146, %add3A_142], %broadcast_in_dim3A_5 : memref<8x8x128xi32, #tpu.memory_space<vmem>>[vector<16xi32>, vector<16xi32>, vector<16xi32>], vector<16xi32>,
        %shift_right_arithmetic3A_147 = arith.constant 3 : i32
        %shift_right_arithmetic3A_148 = vector.broadcast %shift_right_arithmetic3A_147 : i32 to vector<16xi32>
        %shift_right_arithmetic3A_149 = arith.shrsi %scan3A_137#3, %shift_right_arithmetic3A_148 : vector<16xi32>
        %and3A_150 = arith.constant 7 : i32
        %and3A_151 = vector.broadcast %and3A_150 : i32 to vector<16xi32>
        %and3A_152 = arith.andi %scan3A_137#3, %and3A_151 : vector<16xi32>
        tpu.vector_store_idx %arg7[%shift_right_arithmetic3A_149, %and3A_152, %add3A_142], %broadcast_in_dim3A_5 : memref<8x8x128xi32, #tpu.memory_space<vmem>>[vector<16xi32>, vector<16xi32>, vector<16xi32>], vector<16xi32>,
      }
      %scan3A_120 = arith.constant 8 : i32
      %add3A_121 = arith.addi %mul3A_2, %add3A_91 : i32
      %dma_start3A_122 = arith.constant 0 : i32
      %dma_start3A_123 = arith.constant 0 : i32
      %dma_start3A_124 = arith.constant 0 : i32
      %dma_start3A_125 = tpu.memref_slice %arg3[%dma_start3A_122, %add3A_121, %dma_start3A_123, %dma_start3A_124] : memref<8x256x8x128xi32, #tpu.memory_space<hbm>> -> memref<8x1x8x128xi32, #tpu.memory_space<hbm>>
      %dma_start3A_126 = tpu.memref_squeeze %dma_start3A_125 : memref<8x1x8x128xi32, #tpu.memory_space<hbm>> -> memref<8x8x128xi32, #tpu.memory_space<hbm>>
      %dma_start3A_127 = arith.constant 0 : i32
      %dma_start3A_128 = arith.constant 0 : i32
      %dma_start3A_129 = arith.constant 0 : i32
      %dma_start3A_130 = tpu.memref_slice %arg3[%dma_start3A_127, %add3A_121, %dma_start3A_128, %dma_start3A_129] : memref<8x256x8x128xi32, #tpu.memory_space<hbm>> -> memref<8x1x8x128xi32, #tpu.memory_space<hbm>>
      %dma_start3A_131 = tpu.memref_squeeze %dma_start3A_130 : memref<8x1x8x128xi32, #tpu.memory_space<hbm>> -> memref<8x8x128xi32, #tpu.memory_space<hbm>>
      tpu.enqueue_dma source(%arg7 : memref<8x8x128xi32, #tpu.memory_space<vmem>>) target(%dma_start3A_131 : memref<8x8x128xi32, #tpu.memory_space<hbm>>) target_semaphore(%arg11 : memref<!tpu.dma_semaphore, #tpu.memory_space<semaphore_mem>>)
    }
    %scan3A_23 = arith.constant 4 : i32
    %add3A_24 = arith.constant 6 : i32
    %add3A_25 = arith.addi %mul3A_2, %add3A_24 : i32
    %dma_wait3A = arith.constant 0 : i32
    %dma_wait3A_26 = arith.constant 0 : i32
    %dma_wait3A_27 = arith.constant 0 : i32
    %dma_wait3A_28 = tpu.memref_slice %arg3[%dma_wait3A, %add3A_25, %dma_wait3A_26, %dma_wait3A_27] : memref<8x256x8x128xi32, #tpu.memory_space<hbm>> -> memref<8x1x8x128xi32, #tpu.memory_space<hbm>>
    %dma_wait3A_29 = tpu.memref_squeeze %dma_wait3A_28 : memref<8x1x8x128xi32, #tpu.memory_space<hbm>> -> memref<8x8x128xi32, #tpu.memory_space<hbm>>
    %dma_wait3A_30 = arith.constant 0 : i32
    %dma_wait3A_31 = arith.constant 0 : i32
    %dma_wait3A_32 = arith.constant 0 : i32
    %dma_wait3A_33 = tpu.memref_slice %arg3[%dma_wait3A_30, %add3A_25, %dma_wait3A_31, %dma_wait3A_32] : memref<8x256x8x128xi32, #tpu.memory_space<hbm>> -> memref<8x1x8x128xi32, #tpu.memory_space<hbm>>
    %dma_wait3A_34 = tpu.memref_squeeze %dma_wait3A_33 : memref<8x1x8x128xi32, #tpu.memory_space<hbm>> -> memref<8x8x128xi32, #tpu.memory_space<hbm>>
    tpu.wait_dma2 semaphore(%arg10 : memref<!tpu.dma_semaphore, #tpu.memory_space<semaphore_mem>>) src(%arg6 : memref<8x8x128xi32, #tpu.memory_space<vmem>>) dst(%dma_wait3A_34 : memref<8x8x128xi32, #tpu.memory_space<hbm>>)
    %add3A_35 = arith.constant 7 : i32
    %add3A_36 = arith.addi %mul3A_2, %add3A_35 : i32
    %dma_wait3A_37 = arith.constant 0 : i32
    %dma_wait3A_38 = arith.constant 0 : i32
    %dma_wait3A_39 = arith.constant 0 : i32
    %dma_wait3A_40 = tpu.memref_slice %arg3[%dma_wait3A_37, %add3A_36, %dma_wait3A_38, %dma_wait3A_39] : memref<8x256x8x128xi32, #tpu.memory_space<hbm>> -> memref<8x1x8x128xi32, #tpu.memory_space<hbm>>
    %dma_wait3A_41 = tpu.memref_squeeze %dma_wait3A_40 : memref<8x1x8x128xi32, #tpu.memory_space<hbm>> -> memref<8x8x128xi32, #tpu.memory_space<hbm>>
    %dma_wait3A_42 = arith.constant 0 : i32
    %dma_wait3A_43 = arith.constant 0 : i32
    %dma_wait3A_44 = arith.constant 0 : i32
    %dma_wait3A_45 = tpu.memref_slice %arg3[%dma_wait3A_42, %add3A_36, %dma_wait3A_43, %dma_wait3A_44] : memref<8x256x8x128xi32, #tpu.memory_space<hbm>> -> memref<8x1x8x128xi32, #tpu.memory_space<hbm>>
    %dma_wait3A_46 = tpu.memref_squeeze %dma_wait3A_45 : memref<8x1x8x128xi32, #tpu.memory_space<hbm>> -> memref<8x8x128xi32, #tpu.memory_space<hbm>>
    tpu.wait_dma2 semaphore(%arg11 : memref<!tpu.dma_semaphore, #tpu.memory_space<semaphore_mem>>) src(%arg7 : memref<8x8x128xi32, #tpu.memory_space<vmem>>) dst(%dma_wait3A_46 : memref<8x8x128xi32, #tpu.memory_space<hbm>>)
    return
  }
}

</mosaic_0001>

<sc_bundles>
// kernel: kernel.3.cloned.1.call-start
scs
__scs_entry_jumppad:
0x0: {  	(pc) =	sbr.rel $0x88, $3  }
0x1: {  	(tag) =	ssettag $0x0;
	lr =	simm.s32 $0x1  }
0x2: {  	[smem:$0x3FA0] =	sst lr;
	_ =	strace $0xD0000000  }
0x3: {  	_ = 	snop  }
0x4: {  	_ = 	snop  }
0x5: {  	_ = 	snop  }
0x6: {  	_ = 	snop  }
0x7: {  	_ = 	snop  }
__scs_overlays_trampoline_lowered:
0x8: {  	[smem:$0x3FAF] =	sst s0  }
0x9: {  	[smem:$0x3FB0] =	sst s1  }
0xa: {  	[smem:$0x3FB1] =	sst s2  }
0xb: {  	[smem:$0x3FB2] =	sst s3  }
0xc: {  	[smem:$0x3FB3] =	sst s4  }
0xd: {  	[smem:$0x3FB4] =	sst s5  }
0xe: {  	[smem:$0x3FB5] =	sst s6  }
0xf: {  	[smem:$0x3FB6] =	sst s7  }
0x10: {  	[smem:$0x3FB7] =	sst s8  }
0x11: {  	[smem:$0x3FB8] =	sst s9;
	s0 =	simm.s32 @!p0 $0x0  }
0x12: {  	s1 =	sld [smem:$0x3F9E];
	s0 =	simm.s32 @p0 $0x1  }
0x13: {  	[smem:$0x3FB9] =	sst s0;
	s0 =	simm.s32 @!p1 $0x0  }
0x14: {  	s2 =	sld [smem:$0x3F9D];
	s0 =	simm.s32 @p1 $0x1  }
0x15: {  	[smem:$0x3FBA] =	sst s0;
	s0 =	simm.s32 @!p2 $0x0  }
0x16: {  	s3 =	sld [smem:$0x3FDB];
	s0 =	simm.s32 @p2 $0x1  }
0x17: {  	s4 =	simm.s32 $0x1BF5;
	[smem:$0x3FBC] =	sst s0  }
0x18: {  	s0 =	sld [smem:$0x3F9F];
	_ =	swait.ge [sflag:s4], $0x0  }
0x19: {  	s7 =	sld [smem:$0x3FA0]  }
0x1a: {  	s8 =	sadd.s32 $0xFFFFE003, lr  }
0x1b: {  	s9 =	sadd.s32 $0xFFFFFEF7, lr;
	s5 =	simm.s32 $0xFFFFFFFF;
	p2 =	slt.u32 s8, $0xFFFFF086  }
0x1c: {  	p1 =	slt.u32 s9, $0xF7A;
	s5 =	simm.s32 @!p2 $0x0  }
0x1d: {  	s5 =	simm.s32 @p1 $0x1;
	p0 =	seq.s32 s7, s2  }
0x1e: {  	s7 =	smul.u32 @!p0 $0xF7A, s2;
	p2 =	seq.s32 @!p0 s5, $0x0  }
0x1f: {  	s9 =	smul.u32 $0xF7A, s1;
	s8 =	simm.s32 @!p0 $0x1BF5;
	p2 =	por !p2, p0  }
0x20: {  	[sflag:s8] =	ssyncset.s32 @!p0 $0xFFFFF086;
	s6 =	sadd.s32 @!p0 s3, s7;
	s7 =	simm.s32 @!p0 $0x108  }
0x21: {  	s3 =	sadd.s32 s3, s9;
	s6 =	sadd.s32 @!p0 $0x88, s6;
	s7 =	simm.s32 @p2 $0x1082  }
0x22: {  	[simem:s7], [sflag:s8] =	dma.local @!p0 [hbm:s6], $0xF7A  }
0x23: {  	s9 =	sor.u32 $0xD0000000, s2;
	s6 =	simm.s32 $0x108;
	_ =	swait.ge @!p0 [sflag:s8], $0x0  }
0x24: {  	s3 =	sadd.s32 $0x88, s3;
	s6 =	simm.s32 @!p1 $0x1082;
	[sflag:s4] =	ssyncset.s32 $0xFFFFF086  }
0x25: {  	[simem:s6], [sflag:s4] =	dma.local [hbm:s3], $0xF7A  }
0x26: {  	[smem:$0x3FA0] =	sst s1;
	(tag) =	ssettag s2;
	_ =	strace s9  }
0x27: {  	s1 =	sld [smem:$0x3FB0]  }
0x28: {  	s2 =	sld [smem:$0x3FB1]  }
0x29: {  	s4 =	sld [smem:$0x3FB3]  }
0x2a: {  	p0 =	seq.s32 s5, $0x0;
	s5 =	sld [smem:$0x3FB4]  }
0x2b: {  	s6 =	sld [smem:$0x3FB5]  }
0x2c: {  	s7 =	sld [smem:$0x3FB6]  }
0x2d: {  	s3 =	simm.s32 $0x108;
	s8 =	sld [smem:$0x3FB7]  }
0x2e: {  	s3 =	simm.s32 @!p0 $0x1082;
	s9 =	sld [smem:$0x3FB8]  }
0x2f: {  	lr =	sadd.s32 s0, s3;
	s0 =	sld [smem:$0x3FAF]  }
0x30: {  	s3 =	sld [smem:$0x3FB2]  }
0x31: {  	[smem:$0x3FBB] =	sst s10  }
0x32: {  	s10 =	sld [smem:$0x3FB9];
	_ =	sdelay $0x3  }
0x33: {  	p0 =	seq.s32 s10, $0x1;
	s10 =	sld [smem:$0x3FBB];
	_ =	sdelay $0x3  }
0x34: {  	[smem:$0x3FBB] =	sst s10  }
0x35: {  	s10 =	sld [smem:$0x3FBA];
	_ =	sdelay $0x3  }
0x36: {  	p1 =	seq.s32 s10, $0x1;
	s10 =	sld [smem:$0x3FBB];
	_ =	sdelay $0x3  }
0x37: {  	[smem:$0x3FBB] =	sst s10  }
0x38: {  	s10 =	sld [smem:$0x3FBC]  }
0x39: {  	_ = 	snop;
	(pc) =	sbr.ind lr, $3  }
0x3a: {  	_ = 	snop  }
0x3b: {  	_ = 	snop  }
0x3c: {  	p2 =	seq.s32 s10, $0x1;
	s10 =	sld [smem:$0x3FBB]  }
0x3d: {  	_ =	shalt  }
0x3e: {  	_ =	shalt  }
0x3f: {  	_ =	shalt  }
0x40: {  	_ =	shalt  }
0x41: {  	_ =	shalt  }
0x42: {  	_ =	shalt  }
0x43: {  	_ =	shalt  }
0x44: {  	_ =	shalt  }
0x45: {  	_ =	shalt  }
0x46: {  	_ =	shalt  }
0x47: {  	_ =	shalt  }
0x48: {  	_ =	shalt  }
0x49: {  	_ =	shalt  }
0x4a: {  	_ =	shalt  }
0x4b: {  	_ =	shalt  }
0x4c: {  	_ =	shalt  }
0x4d: {  	_ =	shalt  }
0x4e: {  	_ =	shalt  }
0x4f: {  	_ =	shalt  }
0x50: {  	_ =	shalt  }
0x51: {  	_ =	shalt  }
0x52: {  	_ =	shalt  }
0x53: {  	_ =	shalt  }
0x54: {  	_ =	shalt  }
0x55: {  	_ =	shalt  }
0x56: {  	_ =	shalt  }
0x57: {  	_ =	shalt  }
0x58: {  	_ =	shalt  }
0x59: {  	_ =	shalt  }
0x5a: {  	_ =	shalt  }
0x5b: {  	_ =	shalt  }
0x5c: {  	_ =	shalt  }
0x5d: {  	_ =	shalt  }
0x5e: {  	_ =	shalt  }
0x5f: {  	_ =	shalt  }
0x60: {  	_ =	shalt  }
0x61: {  	_ =	shalt  }
0x62: {  	_ =	shalt  }
0x63: {  	_ =	shalt  }
0x64: {  	_ =	shalt  }
0x65: {  	_ =	shalt  }
0x66: {  	_ =	shalt  }
0x67: {  	_ =	shalt  }
0x68: {  	_ =	shalt  }
0x69: {  	_ =	shalt  }
0x6a: {  	_ =	shalt  }
0x6b: {  	_ =	shalt  }
0x6c: {  	_ =	shalt  }
0x6d: {  	_ =	shalt  }
0x6e: {  	_ =	shalt  }
0x6f: {  	_ =	shalt  }
0x70: {  	_ =	shalt  }
0x71: {  	_ =	shalt  }
0x72: {  	_ =	shalt  }
0x73: {  	_ =	shalt  }
0x74: {  	_ =	shalt  }
0x75: {  	_ =	shalt  }
0x76: {  	_ =	shalt  }
0x77: {  	_ =	shalt  }
0x78: {  	_ =	shalt  }
0x79: {  	_ =	shalt  }
0x7a: {  	_ =	shalt  }
0x7b: {  	_ =	shalt  }
0x7c: {  	_ =	shalt  }
0x7d: {  	_ =	shalt  }
0x7e: {  	_ =	shalt  }
0x7f: {  	_ =	shalt  }
0x80: {  	_ =	shalt  }
0x81: {  	_ =	shalt  }
0x82: {  	_ =	shalt  }
0x83: {  	_ =	shalt  }
0x84: {  	_ =	shalt  }
0x85: {  	_ =	shalt  }
0x86: {  	_ =	shalt  }
0x87: {  	_ =	shalt  }
.Lfunc_end0:
.L_simem_size_0:
called_computation_lowered:
.L_overlay_start_0:
0x88: {  	s2 =	sld [smem:$0x3FD9]  }
0x89: {  	s3 =	sld [smem:$0x3FFE];
	_ =	sdelay $0x1  }
0x8a: {  	s1 =	srdreg.scid  }
0x8b: {  	s0 =	sand.u32 $0x1, s1  }
0x8c: {  	s18 =	sshll.u32 s0, $0xA;
	s2 =	sadd.s32 s3, s2  }
0x8d: {  	s2 =	sadd.s32 s2, s18  }
0x8e: {  	[smem:$0x3FC7] =	sst s2  }
0x8f: {  	_ = 	snop  }
0x90: {  	s2 =	sld [smem:$0x3FC9]  }
0x91: {  	s19 =	sld [smem:$0x3FD0];
	(tm) =	ssettm $0x1  }
0x92: {  	s4 =	sld [smem:$0x3FFB];
	_ =	sdelay $0x3  }
0x93: {  	_ =	strace s4  }
0x94: {  	s4 =	sld [smem:$0x3FFC];
	_ =	sdelay $0x3  }
0x95: {  	_ =	strace s4  }
0x96: {  	s4 =	sld [smem:$0x3FFD];
	_ =	sdelay $0x3  }
0x97: {  	_ =	strace s4  }
0x98: {  	_ =	strace $0x8FFFFFFF  }
0x99: {  	s20 =	sld [smem:$0x3FDB];
	_ =	sdelay $0x1  }
0x9a: {  	s5 =	simm.s32 $_scs_section_size  }
0x9b: {  	s6 =	simm.s32 $_size__tile_overlayer_lowered;
	s7 =	simm.s32 $_tile_overlayer_lowered  }
0x9c: {  	s23 =	simm.s32 $0x1BFF;
	s22 =	sshll.u32 s7, $0x1;
	s4 =	sadd.s32 s5, s20  }
0x9d: {  	s8 =	simm.s32 $0x0;
	s21 =	sshll.u32 s6, $0x1;
	s6 =	sadd.s32 s22, s4  }
0x9e: {  	[timem:s8], [sflag:s23] =	dma.local [hbm:s6], s21  }
0x9f: {  	_ =	swait.ge [sflag:s23], s21  }
0xa0: {  	s5 =	ssub.s32 $0x0, s21;
	[sflag:s23] =	ssyncset.done $0x0  }
0xa1: {  	[sflag:s23] =	ssyncadd.s32 s5;
	_ =	sdelay $0x1  }
0xa2: {  	s24 =	simm.s32 $0x1B8B  }
0xa3: {  	_ =	swait.ge [sflag:s24], $0x1  }
0xa4: {  	[sflag:s24] =	ssyncset.done $0x0  }
0xa5: {  	s25 =	simm.s32 $0x1B8E;
	[sflag:s24] =	ssyncadd.s32 $0xFFFFFFFF  }
0xa6: {  	s26 =	simm.s32 $execute0_lowered;
	[smem:$0x3FD2] =	sst s25  }
0xa7: {  	s5 =	sshll.u32 s26, $0x1;
	_ =	strace $0x80000046;
	[dreg:$0x1] =	wrdreg $0xFFFFFFFF  }
0xa8: {  	s28 =	simm.s32 $_size_execute0_lowered;
	s4 =	sadd.s32 s4, s5;
	[dreg:$0x0] =	wrdreg $0x0  }
0xa9: {  	s5 =	sshll.u32 s28, $0x1;
	[dreg:$0x2] =	wrdreg s4  }
0xaa: {  	[dreg:$0x3] =	wrdreg s5  }
0xab: {  	[dreg:$0x4] =	wrdreg $0xC0  }
0xac: {  	_ =	task [dreg:s8], $0x5FFFF  }
0xad: {  	[dreg:$0x1] =	wrdreg $0xFFFFFFFF  }
0xae: {  	[dreg:$0x0] =	wrdreg $0x60  }
0xaf: {  	[dreg:$0x2] =	wrdreg s2  }
0xb0: {  	[dreg:$0x3] =	wrdreg s19  }
0xb1: {  	[dreg:$0x4] =	wrdreg $0x9  }
0xb2: {  	_ =	task.clear_ibuf [dreg:s8], $0x5FFFF;
	_ =	strace $0x90000046  }
0xb3: {  	s29 =	simm.s32 $0x9;
	_ =	strace $0x80000048  }
0xb4: {  	_ =	swait.ge [sflag:s29], $0x1  }
0xb5: {  	[sflag:s29] =	ssyncadd.s32 $0xFFFFFFFF  }
0xb6: {  	_ =	strace $0x90000048  }
0xb7: {  	_ =	sfence  }
0xb8: {  	s30 =	sld [smem:$0x0];
	_ =	sdelay $0x2  }
0xb9: {  	s31 =	sshll.u32 s1, $0xD;
	s1 =	sshrl.u32 s1, $0x2  }
0xba: {  	s3 =	sand.u32 $0x4000, s31;
	s1 =	sadd.s32 s1, s30  }
0xbb: {  	s0 =	sor.u32 s3, s0;
	s1 =	sshll.u32 s1, $0x11  }
0xbc: {  	s0 =	sor.u32 s1, s0  }
0xbd: {  	s0 =	sadd.s32 $0x8F2B, s0  }
0xbe: {  	[sflag:s0] =	ssyncadd.remote.s32 $0x1  }
0xbf: {  	_ =	sfence.sel $0xFFFF  }
0xc0: {  	[dreg:$0x0] =	wrdreg $0xFFFFFFFF;
	(pc) =	sbr.abs _section_cstart, $3  }
0xc1: {  	[dreg:$0x1] =	wrdreg $0xFFFFFFFF  }
0xc2: {  	_ =	task.clear_ibuf [dreg:s8], $0x2FFFF;
	_ =	strace $0x9FFFFFFF  }
0xc3: {  	(tm) =	ssettm $0x7FFFFFFF  }
tec
execute0_lowered:
.L_overlay_start_1:
0x0: {  	(tag) =	ssettag $0x1  }
0x1: {  	s2 =	rddreg [dreg:$0x0];
	s0 =	srdreg.scid  }
0x2: {  	s3 =	rddreg [dreg:$0x1];
	s1 =	stileid.u32;
	s6 =	simm.s32 $0x0  }
0x3: {  	s9 =	simm.s32 $0x400;
	s10 =	simm.s32 $0x40000;
	s11 =	simm.s32 $0x1  }
0x4: {  	s12 =	simm.s32 $0x2000;
	s13 =	simm.s32 $0x4000;
	s0 =	sand.u32 $0x1, s0  }
0x5: {  	s14 =	simm.s32 $0x2;
	s1 =	sshll.u32 s1, $0x4;
	s4 =	sshll.u32 s0, $0x3  }
0x6: {  	s15 =	simm.s32 $0x6000;
	s0 =	ssub.s32 $0x2, s0;
	s5 =	sor.u32 s4, s1  }
0x7: {  	s17 =	simm.s32 $0x4;
	s30 =	sshrl.u32 s0, $0x1;
	s4 =	sshll.u32 s5, $0x7  }
0x8: {  	[smem:$0x7FF] =	sst s6;
	s0 =	ssub.s32 s0, s30;
	s31 =	sadd.s32 s2, s4  }
0x9: {  	_ =	strace $0x80000047;
	s0 =	smax.u32 s0, $0x1;
	[dreg:$0x3] =	wrdreg s31  }
0xa: {  	v0 =	vimm.s32 $0x0;
	v1 =	vlaneseq.u32;
	v2 =	vimm.s32 $0x1;
	s1 =	simm.s32 $0x0;
	s7 =	sor.u32 $0x2, s5;
	[dreg:$0x4] =	wrdreg s0  }
.LBB2_1:
0xb: {  	[dreg:$0x5] =	wrdreg s1  }
0xc: {  	s0 =	simm.s32 $0x0;
	s31 =	rddreg [dreg:$0x3];
	s19 =	simm.s32 $0x0  }
0xd: {  	[tilespmem:s0], [sflag:$0x1] =	stream.strided.gather [hbm4b:s31+s9], $0x2000, s10, s9, $0x38;
	[tilespmem:$0x8000] =	vst v63  }
.LBB2_2:
0xe: {  	s21 =	sshll.u32 s19, $0x1  }
0xf: {  	s0 =	sor.u32 s21, s5  }
0x10: {  	_ =	swait.ge [sflag:s11], $0x2000;
	s0 =	sshll.u32 s0, $0x7  }
0x11: {  	[sflag:s11] =	ssyncset.done $0x0;
	s20 =	sor.u32 $0x80, s0  }
0x12: {  	p0 =	seq.s32 s19, $0x0;
	[sflag:s11] =	ssyncadd.s32 $0xFFFFE000;
	s0 =	sadd.s32 s2, s20  }
0x13: {  	[tilespmem:s12], [sflag:$0x2] =	stream.strided.gather [hbm4b:s0+s9], $0x2000, s10, s9, $0x38;
	[tilespmem:$0x8000] =	vst v63  }
0x14: {  	s0 =	simm.s32 @!p0 $0x3  }
0x15: {  	_ =	swait.ge @!p0 [sflag:s0], $0x2000  }
0x16: {  	s23 =	simm.s32 $0x0;
	s24 =	simm.s32 $0x4200;
	[sflag:s0] =	ssyncset.done @!p0 $0x0  }
0x17: {  	s25 =	simm.s32 $0x200;
	s22 =	sadd.s32 s5, s21;
	[sflag:s0] =	ssyncadd.s32 @!p0 $0xFFFFE000  }
.LBB2_3:
0x18: {  	v3 =	vld [tilespmem:s25+$0xFFFFFE00];
	[tilespmem:s24+$0xFFFFFE00] =	vst v0  }
0x19: {  	v4 =	vld [tilespmem:s25+$0xFFFFFE80]  }
0x1a: {  	[tilespmem:s24+$0xFFFFFE80] =	vst v0  }
0x1b: {  	v6 =	vld [tilespmem:s25+$0xFFFFFF00]  }
0x1c: {  	v9 =	vimm.f32 $-Inf;
	v11 =	vimm.s32 $0x0;
	[tilespmem:s24+$0xFFFFFF00] =	vst v0  }
0x1d: {  	v7 =	vld [tilespmem:s25+$0xFFFFFF80];
	v10 =	vmin.f32 v9, v3;
	v5 =	vmax.f32 v9, v3;
	vm1 =	vgt.f32 v3, v9  }
0x1e: {  	s0 =	simm.s32 $0x0;
	[tilespmem:s24+$0xFFFFFF80] =	vst v0;
	v13 =	vmin.f32 v5, v4;
	vm0 =	vgt.f32 v4, v5;
	v3 =	vmax.f32 v5, v4  }
0x1f: {  	v12 =	vld [tilespmem:s25+$0x0];
	[tilespmem:s24+$0x0] =	vst v0;
	v15 =	vmax.f32 v9, v10;
	v18 =	vsel vm1, s0, v11;
	vm5 =	vgt.f32 v10, v9  }
0x20: {  	s4 =	simm.s32 $0x1;
	v14 =	vld [tilespmem:s25+$0x80];
	v17 =	vmin.f32 v3, v6;
	v8 =	vmax.f32 v3, v6;
	vm2 =	vgt.f32 v6, v3  }
0x21: {  	[tilespmem:s24+$0x80] =	vst v0;
	v4 =	vsel vm0, s4, v18;
	vm4 =	vgt.f32 v13, v15;
	v20 =	vmax.f32 v15, v13  }
0x22: {  	s1 =	simm.s32 $0x2;
	v3 =	vld [tilespmem:s25+$0x100];
	[tilespmem:s24+$0x100] =	vst v0;
	v5 =	vmin.f32 v8, v7;
	v19 =	vmax.f32 v8, v7;
	vm3 =	vgt.f32 v7, v8  }
0x23: {  	v8 =	vld [tilespmem:s25+$0x180];
	v6 =	vsel vm2, s1, v4;
	v7 =	vsel vm5, s0, v11;
	v15 =	vmax.f32 v20, v17  }
0x24: {  	vm6 =	vgt.f32 v17, v20;
	v10 =	vmin.f32 v19, v12;
	v16 =	vmax.f32 v19, v12  }
0x25: {  	v7 =	vsel vm1, v11, v7;
	vm1 =	vgt.f32 v14, v16;
	v9 =	vmin.f32 v16, v14  }
0x26: {  	s26 =	sshll.u32 s23, $0x4;
	v13 =	vsel vm4, s4, v7;
	s4 =	simm.s32 $0x3;
	v11 =	vmax.f32 v16, v14;
	vm4 =	vgt.f32 v12, v19  }
0x27: {  	s28 =	simm.s32 $0x7;
	s29 =	simm.s32 $0x5;
	s8 =	simm.s32 $0x4;
	v7 =	vsel vm3, s4, v6;
	v13 =	vsel vm0, v18, v13;
	v16 =	vmax.f32 v11, v3  }
0x28: {  	s30 =	sadd.s32 $0x400, s25;
	s31 =	smov.u32 s24;
	s0 =	simm.s32 $0xF;
	[tilespmem:s24+$0x180] =	vst v0;
	v12 =	vmin.f32 v11, v3;
	vm0 =	vgt.f32 v8, v16;
	v14 =	vmax.f32 v16, v8  }
.LBB2_4:
0x29: {  	s18 =	sadd.s32 $0xFFFFFFFE, s0  }
0x2a: {  	v17 =	vld [tilespmem:s30+$0xFFFFFE00];
	v18 =	vmax.f32 v15, v5;
	v19 =	vsel vm4, s8, v7;
	v8 =	vmin.f32 v16, v8;
	s31 =	sadd.s32 $0x400, s31;
	s6 =	smov.u32 s0;
	s16 =	sadd.s32 $0x8, s0  }
0x2b: {  	p0 =	sne.s32 s0, $0x3F;
	vm7 =	vgt.f32 v5, v15;
	s0 =	sadd.s32 $0xFFFFFFFF, s28;
	vm5 =	vgt.f32 v3, v11;
	[tilespmem:s31+$0xFFFFFE00] =	vst v0;
	v15 =	vsel vm1, s29, v19  }
0x2c: {  	vm11 =	vgt.f32 v10, v18;
	v5 =	vmax.f32 v18, v10;
	v3 =	vld [tilespmem:s30+$0xFFFFFE80];
	v10 =	vsel vm5, s0, v15  }
0x2d: {  	vm10 =	vgt.f32 v9, v5;
	v5 =	vmax.f32 v5, v9;
	[tilespmem:s31+$0xFFFFFE80] =	vst v0;
	v9 =	vsel vm0, s28, v10  }
0x2e: {  	v13 =	vsel vm6, s1, v13;
	vm9 =	vgt.f32 v12, v5;
	v5 =	vmax.f32 v5, v12;
	v11 =	vld [tilespmem:s30+$0xFFFFFF00]  }
0x2f: {  	v4 =	vsel vm2, v4, v13;
	v12 =	vmin.f32 v14, v17;
	v16 =	vmax.f32 v14, v17;
	[tilespmem:s31+$0xFFFFFF00] =	vst v0  }
0x30: {  	v4 =	vsel vm7, s4, v4;
	vm8 =	vgt.f32 v8, v5;
	v18 =	vmax.f32 v5, v8;
	v13 =	vld [tilespmem:s30+$0xFFFFFF80]  }
0x31: {  	v4 =	vsel vm3, v6, v4;
	vm7 =	vgt.f32 v17, v14;
	v14 =	vmin.f32 v16, v3;
	[tilespmem:s31+$0xFFFFFF80] =	vst v0  }
0x32: {  	v4 =	vsel vm11, s8, v4;
	v17 =	vld [tilespmem:s30+$0x0]  }
0x33: {  	v4 =	vsel vm4, v7, v4;
	vm6 =	vgt.f32 v3, v16;
	v3 =	vmax.f32 v16, v3;
	[tilespmem:s31+$0x0] =	vst v0  }
0x34: {  	v4 =	vsel vm10, s29, v4;
	s29 =	smov.u32 s18;
	v20 =	vmin.f32 v3, v11;
	v6 =	vmax.f32 v3, v11;
	v7 =	vld [tilespmem:s30+$0x80]  }
0x35: {  	s4 =	sadd.s32 $0xFFFFFFF9, s6;
	v16 =	vmax.f32 v18, v12;
	v4 =	vsel vm1, v19, v4;
	v5 =	vmin.f32 v6, v13;
	[tilespmem:s31+$0x80] =	vst v0  }
0x36: {  	s8 =	sadd.s32 $0xFFFFFFFA, s6;
	v19 =	vsel vm7, s4, v9;
	v8 =	vsel vm9, s0, v4;
	vm2 =	vgt.f32 v11, v3;
	v3 =	vld [tilespmem:s30+$0x100]  }
0x37: {  	v4 =	vsel vm6, s8, v19;
	v11 =	vsel vm5, v15, v8;
	v21 =	vmax.f32 v6, v13;
	[tilespmem:s31+$0x100] =	vst v0  }
0x38: {  	s1 =	sadd.s32 $0xFFFFFFFB, s6;
	vm4 =	vgt.f32 v14, v16;
	v11 =	vsel vm8, s28, v11;
	s28 =	smov.u32 s6;
	vm3 =	vgt.f32 v13, v6;
	v8 =	vld [tilespmem:s30+$0x180]  }
0x39: {  	vm1 =	vgt.f32 v12, v18;
	v6 =	vsel vm2, s1, v4;
	v10 =	vsel vm0, v10, v11;
	[tilespmem:s31+$0x180] =	vst v0  }
0x3a: {  	v11 =	vsel vm1, s4, v10;
	v10 =	vmin.f32 v21, v17;
	v12 =	vmax.f32 v21, v17  }
.Ltmp0:
0x3b: {  	v11 =	vsel vm7, v9, v11;
	vm1 =	vgt.f32 v7, v12;
	v9 =	vmin.f32 v12, v7;
	(pc) =	sbr.rel @p0 .LBB2_4-.Ltmp0, $4  }
0x3c: {  	v14 =	vmax.f32 v16, v14;
	s4 =	sadd.s32 $0xFFFFFFFC, s28;
	v13 =	vsel vm4, s8, v11;
	v11 =	vmax.f32 v12, v7  }
0x3d: {  	v15 =	vmax.f32 v14, v20;
	v7 =	vsel vm3, s4, v6;
	v16 =	vmax.f32 v11, v3  }
0x3e: {  	vm4 =	vgt.f32 v17, v21;
	v13 =	vsel vm6, v19, v13;
	vm0 =	vgt.f32 v8, v16  }
0x3f: {  	s0 =	smov.u32 s16;
	s8 =	sadd.s32 $0xFFFFFFFD, s28;
	s30 =	sadd.s32 $0x400, s30;
	vm6 =	vgt.f32 v20, v14;
	v12 =	vmin.f32 v11, v3;
	v14 =	vmax.f32 v16, v8  }
0x40: {  	v13 =	vsel vm6, s1, v13  }
0x41: {  	vm5 =	vgt.f32 v5, v15;
	v4 =	vsel vm2, v4, v13  }
0x42: {  	v57 =	vmax.f32 v15, v5;
	v4 =	vsel vm5, s4, v4  }
0x43: {  	vm11 =	vgt.f32 v10, v57;
	v4 =	vsel vm3, v6, v4  }
0x44: {  	v5 =	vmax.f32 v57, v10;
	v4 =	vsel vm11, s8, v4  }
0x45: {  	v58 =	vsel vm4, s8, v7;
	vm12 =	vgt.f32 v9, v5;
	v4 =	vsel vm4, v7, v4  }
0x46: {  	v59 =	vmin.f32 v16, v8;
	v5 =	vmax.f32 v5, v9;
	v4 =	vsel vm12, s29, v4  }
0x47: {  	s0 =	sadd.s32 $0xFFFFFFFF, s28;
	vm14 =	vgt.f32 v3, v11;
	vm13 =	vgt.f32 v12, v5;
	v4 =	vsel vm1, v58, v4  }
0x48: {  	v60 =	vsel vm1, s29, v58;
	v3 =	vmax.f32 v5, v12;
	v4 =	vsel vm13, s0, v4  }
0x49: {  	v61 =	vsel vm14, s0, v60;
	vm15 =	vgt.f32 v59, v3;
	v3 =	vsel vm14, v60, v4  }
0x4a: {  	v62 =	vsel vm0, s28, v61;
	v3 =	vsel vm15, s28, v3  }
0x4b: {  	v63 =	vor.u32 s26, v1;
	v4 =	vshll.u32 v62, $0x7;
	v3 =	vsel vm0, v61, v3  }
0x4c: {  	s23 =	sadd.s32 $0x1, s23;
	v4 =	vadd.s32 v63, v4;
	v3 =	vshll.u32 v3, $0x7  }
0x4d: {  	p0 =	sne.s32 s23, $0x8;
	v3 =	vadd.s32 v63, v3  }
.Ltmp1:
0x4e: {  	_ = 	snop;
	(pc) =	sbr.rel @p0 .LBB2_3-.Ltmp1, $3  }
0x4f: {  	_ =	sdelay $0x1  }
0x50: {  	[tilespmem:v4+s13+$0x0] =	vst.idx.msk $0xffff, v2  }
0x51: {  	s24 =	sadd.s32 $0x10, s24;
	s25 =	sadd.s32 $0x10, s25;
	[tilespmem:v3+s13+$0x0] =	vst.idx.msk $0xffff, v2  }
0x52: {  	s0 =	sshll.u32 s22, $0x7;
	p0 =	seq.s32 s19, $0x3  }
0x53: {  	s0 =	sadd.s32 s3, s0;
	p1 =	seq.s32 @!p0 s19, $0x0  }
0x54: {  	[hbm4b:s0+s9] =	stream.strided.scatter [tilespmem:s13], [sflag:$0x3], $0x2000, s10, s9, $0x38;
	[tilespmem:$0x8000] =	vst v63  }
0x55: {  	s1 =	simm.s32 @!p0 $0x400;
	s0 =	sadd.s32 @!p0 s21, s7;
	_ =	swait.ge [sflag:s14], $0x2000  }
0x56: {  	s4 =	simm.s32 @!p0 $0x40000;
	s0 =	sshll.u32 @!p0 s0, $0x7;
	[sflag:s14] =	ssyncset.done $0x0  }
0x57: {  	s6 =	simm.s32 @!p0 $0x0;
	s0 =	sadd.s32 @!p0 s2, s0;
	[sflag:s14] =	ssyncadd.s32 $0xFFFFE000  }
0x58: {  	[tilespmem:s6], [sflag:$0x1] =	stream.strided.gather @!p0 [hbm4b:s0+s1], $0x2000, s4, s1, $0x38;
	[tilespmem:$0x8000] =	vst v63  }
0x59: {  	p0 =	por p0, !p1  }
0x5a: {  	_ =	swait.ge @p0 [sflag:s17], $0x2000  }
0x5b: {  	s22 =	simm.s32 $0x6200;
	[sflag:s17] =	ssyncset.done @p0 $0x0  }
0x5c: {  	s23 =	simm.s32 $0x2200;
	s21 =	simm.s32 $0x0;
	[sflag:s17] =	ssyncadd.s32 @p0 $0xFFFFE000  }
.LBB2_7:
0x5d: {  	v3 =	vld [tilespmem:s23+$0xFFFFFE00];
	[tilespmem:s22+$0xFFFFFE00] =	vst v0  }
0x5e: {  	v4 =	vld [tilespmem:s23+$0xFFFFFE80]  }
0x5f: {  	[tilespmem:s22+$0xFFFFFE80] =	vst v0  }
0x60: {  	v6 =	vld [tilespmem:s23+$0xFFFFFF00]  }
0x61: {  	v9 =	vimm.f32 $-Inf;
	v11 =	vimm.s32 $0x0;
	[tilespmem:s22+$0xFFFFFF00] =	vst v0  }
0x62: {  	v7 =	vld [tilespmem:s23+$0xFFFFFF80];
	v10 =	vmin.f32 v9, v3;
	v5 =	vmax.f32 v9, v3;
	vm1 =	vgt.f32 v3, v9  }
0x63: {  	s0 =	simm.s32 $0x0;
	[tilespmem:s22+$0xFFFFFF80] =	vst v0;
	v13 =	vmin.f32 v5, v4;
	vm0 =	vgt.f32 v4, v5;
	v3 =	vmax.f32 v5, v4  }
0x64: {  	v12 =	vld [tilespmem:s23+$0x0];
	[tilespmem:s22+$0x0] =	vst v0;
	v15 =	vmax.f32 v9, v10;
	v18 =	vsel vm1, s0, v11;
	vm5 =	vgt.f32 v10, v9  }
0x65: {  	s4 =	simm.s32 $0x1;
	v14 =	vld [tilespmem:s23+$0x80];
	v17 =	vmin.f32 v3, v6;
	v8 =	vmax.f32 v3, v6;
	vm2 =	vgt.f32 v6, v3  }
0x66: {  	[tilespmem:s22+$0x80] =	vst v0;
	v4 =	vsel vm0, s4, v18;
	vm4 =	vgt.f32 v13, v15;
	v20 =	vmax.f32 v15, v13  }
0x67: {  	s1 =	simm.s32 $0x2;
	v3 =	vld [tilespmem:s23+$0x100];
	[tilespmem:s22+$0x100] =	vst v0;
	v5 =	vmin.f32 v8, v7;
	v19 =	vmax.f32 v8, v7;
	vm3 =	vgt.f32 v7, v8  }
0x68: {  	v8 =	vld [tilespmem:s23+$0x180];
	v6 =	vsel vm2, s1, v4;
	v7 =	vsel vm5, s0, v11;
	v15 =	vmax.f32 v20, v17  }
0x69: {  	vm6 =	vgt.f32 v17, v20;
	v10 =	vmin.f32 v19, v12;
	v16 =	vmax.f32 v19, v12  }
0x6a: {  	v7 =	vsel vm1, v11, v7;
	vm1 =	vgt.f32 v14, v16;
	v9 =	vmin.f32 v16, v14  }
0x6b: {  	s24 =	sshll.u32 s21, $0x4;
	v13 =	vsel vm4, s4, v7;
	s4 =	simm.s32 $0x3;
	v11 =	vmax.f32 v16, v14;
	vm4 =	vgt.f32 v12, v19  }
0x6c: {  	s25 =	simm.s32 $0x7;
	s26 =	simm.s32 $0x5;
	s16 =	simm.s32 $0xF;
	v7 =	vsel vm3, s4, v6;
	v13 =	vsel vm0, v18, v13;
	v16 =	vmax.f32 v11, v3  }
0x6d: {  	s8 =	simm.s32 $0x4;
	s28 =	sadd.s32 $0x400, s23;
	s29 =	smov.u32 s22;
	[tilespmem:s22+$0x180] =	vst v0;
	v12 =	vmin.f32 v11, v3;
	vm0 =	vgt.f32 v8, v16;
	v14 =	vmax.f32 v16, v8  }
.LBB2_8:
0x6e: {  	s18 =	sadd.s32 $0xFFFFFFFE, s16  }
0x6f: {  	v17 =	vld [tilespmem:s28+$0xFFFFFE00];
	v18 =	vmax.f32 v15, v5;
	v19 =	vsel vm4, s8, v7;
	v8 =	vmin.f32 v16, v8;
	s29 =	sadd.s32 $0x400, s29;
	s6 =	smov.u32 s16;
	s0 =	sadd.s32 $0x8, s16  }
0x70: {  	p0 =	sne.s32 s16, $0x3F;
	vm7 =	vgt.f32 v5, v15;
	s16 =	sadd.s32 $0xFFFFFFFF, s25;
	vm5 =	vgt.f32 v3, v11;
	[tilespmem:s29+$0xFFFFFE00] =	vst v0;
	v15 =	vsel vm1, s26, v19  }
0x71: {  	vm11 =	vgt.f32 v10, v18;
	v5 =	vmax.f32 v18, v10;
	v3 =	vld [tilespmem:s28+$0xFFFFFE80];
	v10 =	vsel vm5, s16, v15  }
0x72: {  	vm10 =	vgt.f32 v9, v5;
	v5 =	vmax.f32 v5, v9;
	[tilespmem:s29+$0xFFFFFE80] =	vst v0;
	v9 =	vsel vm0, s25, v10  }
0x73: {  	v13 =	vsel vm6, s1, v13;
	vm9 =	vgt.f32 v12, v5;
	v5 =	vmax.f32 v5, v12;
	v11 =	vld [tilespmem:s28+$0xFFFFFF00]  }
0x74: {  	v4 =	vsel vm2, v4, v13;
	v12 =	vmin.f32 v14, v17;
	v16 =	vmax.f32 v14, v17;
	[tilespmem:s29+$0xFFFFFF00] =	vst v0  }
0x75: {  	v4 =	vsel vm7, s4, v4;
	vm8 =	vgt.f32 v8, v5;
	v18 =	vmax.f32 v5, v8;
	v13 =	vld [tilespmem:s28+$0xFFFFFF80]  }
0x76: {  	v4 =	vsel vm3, v6, v4;
	vm7 =	vgt.f32 v17, v14;
	v14 =	vmin.f32 v16, v3;
	[tilespmem:s29+$0xFFFFFF80] =	vst v0  }
0x77: {  	v4 =	vsel vm11, s8, v4;
	v17 =	vld [tilespmem:s28+$0x0]  }
0x78: {  	v4 =	vsel vm4, v7, v4;
	vm6 =	vgt.f32 v3, v16;
	v3 =	vmax.f32 v16, v3;
	[tilespmem:s29+$0x0] =	vst v0  }
0x79: {  	v4 =	vsel vm10, s26, v4;
	s26 =	smov.u32 s18;
	v20 =	vmin.f32 v3, v11;
	v6 =	vmax.f32 v3, v11;
	v7 =	vld [tilespmem:s28+$0x80]  }
0x7a: {  	s4 =	sadd.s32 $0xFFFFFFF9, s6;
	v16 =	vmax.f32 v18, v12;
	v4 =	vsel vm1, v19, v4;
	v5 =	vmin.f32 v6, v13;
	[tilespmem:s29+$0x80] =	vst v0  }
0x7b: {  	s8 =	sadd.s32 $0xFFFFFFFA, s6;
	v19 =	vsel vm7, s4, v9;
	v8 =	vsel vm9, s16, v4;
	vm2 =	vgt.f32 v11, v3;
	v3 =	vld [tilespmem:s28+$0x100]  }
0x7c: {  	v4 =	vsel vm6, s8, v19;
	v11 =	vsel vm5, v15, v8;
	v21 =	vmax.f32 v6, v13;
	[tilespmem:s29+$0x100] =	vst v0  }
0x7d: {  	s1 =	sadd.s32 $0xFFFFFFFB, s6;
	vm4 =	vgt.f32 v14, v16;
	v11 =	vsel vm8, s25, v11;
	s25 =	smov.u32 s6;
	vm3 =	vgt.f32 v13, v6;
	v8 =	vld [tilespmem:s28+$0x180]  }
0x7e: {  	vm1 =	vgt.f32 v12, v18;
	v6 =	vsel vm2, s1, v4;
	v10 =	vsel vm0, v10, v11;
	[tilespmem:s29+$0x180] =	vst v0  }
0x7f: {  	v11 =	vsel vm1, s4, v10;
	v10 =	vmin.f32 v21, v17;
	v12 =	vmax.f32 v21, v17  }
.Ltmp2:
0x80: {  	v11 =	vsel vm7, v9, v11;
	vm1 =	vgt.f32 v7, v12;
	v9 =	vmin.f32 v12, v7;
	(pc) =	sbr.rel @p0 .LBB2_8-.Ltmp2, $4  }
0x81: {  	v14 =	vmax.f32 v16, v14;
	s4 =	sadd.s32 $0xFFFFFFFC, s25;
	v13 =	vsel vm4, s8, v11;
	v11 =	vmax.f32 v12, v7  }
0x82: {  	v15 =	vmax.f32 v14, v20;
	v7 =	vsel vm3, s4, v6;
	v16 =	vmax.f32 v11, v3  }
0x83: {  	vm4 =	vgt.f32 v17, v21;
	v13 =	vsel vm6, v19, v13;
	vm0 =	vgt.f32 v8, v16  }
0x84: {  	s16 =	smov.u32 s0;
	s8 =	sadd.s32 $0xFFFFFFFD, s25;
	s28 =	sadd.s32 $0x400, s28;
	vm6 =	vgt.f32 v20, v14;
	v12 =	vmin.f32 v11, v3;
	v14 =	vmax.f32 v16, v8  }
0x85: {  	v13 =	vsel vm6, s1, v13  }
0x86: {  	vm5 =	vgt.f32 v5, v15;
	v4 =	vsel vm2, v4, v13  }
0x87: {  	v57 =	vmax.f32 v15, v5;
	v4 =	vsel vm5, s4, v4  }
0x88: {  	vm11 =	vgt.f32 v10, v57;
	v4 =	vsel vm3, v6, v4  }
0x89: {  	v5 =	vmax.f32 v57, v10;
	v4 =	vsel vm11, s8, v4  }
0x8a: {  	v58 =	vsel vm4, s8, v7;
	vm12 =	vgt.f32 v9, v5;
	v4 =	vsel vm4, v7, v4  }
0x8b: {  	v59 =	vmin.f32 v16, v8;
	v5 =	vmax.f32 v5, v9;
	v4 =	vsel vm12, s26, v4  }
0x8c: {  	s0 =	sadd.s32 $0xFFFFFFFF, s25;
	vm14 =	vgt.f32 v3, v11;
	vm13 =	vgt.f32 v12, v5;
	v4 =	vsel vm1, v58, v4  }
0x8d: {  	v60 =	vsel vm1, s26, v58;
	v3 =	vmax.f32 v5, v12;
	v4 =	vsel vm13, s0, v4  }
0x8e: {  	v61 =	vsel vm14, s0, v60;
	vm15 =	vgt.f32 v59, v3;
	v3 =	vsel vm14, v60, v4  }
0x8f: {  	v62 =	vsel vm0, s25, v61;
	v3 =	vsel vm15, s25, v3  }
0x90: {  	v63 =	vor.u32 s24, v1;
	v4 =	vshll.u32 v62, $0x7;
	v3 =	vsel vm0, v61, v3  }
0x91: {  	s21 =	sadd.s32 $0x1, s21;
	v4 =	vadd.s32 v63, v4;
	v3 =	vshll.u32 v3, $0x7  }
0x92: {  	p0 =	sne.s32 s21, $0x8;
	v3 =	vadd.s32 v63, v3  }
.Ltmp3:
0x93: {  	_ = 	snop;
	(pc) =	sbr.rel @p0 .LBB2_7-.Ltmp3, $3  }
0x94: {  	_ =	sdelay $0x1  }
0x95: {  	[tilespmem:v4+s15+$0x0] =	vst.idx.msk $0xffff, v2  }
0x96: {  	s22 =	sadd.s32 $0x10, s22;
	s23 =	sadd.s32 $0x10, s23;
	[tilespmem:v3+s15+$0x0] =	vst.idx.msk $0xffff, v2  }
0x97: {  	s19 =	sadd.s32 $0x1, s19  }
0x98: {  	p0 =	sne.s32 s19, $0x4  }
.Ltmp4:
0x99: {  	_ = 	snop;
	(pc) =	sbr.rel @p0 .LBB2_2-.Ltmp4, $3  }
0x9a: {  	_ =	sdelay $0x1  }
0x9b: {  	s0 =	sadd.s32 s3, s20  }
0x9c: {  	[hbm4b:s0+s9] =	stream.strided.scatter [tilespmem:s15], [sflag:$0x4], $0x2000, s10, s9, $0x38;
	[tilespmem:$0x8000] =	vst v63  }
0x9d: {  	s0 =	simm.s32 $0x3  }
0x9e: {  	_ =	swait.ge [sflag:s0], $0x2000  }
0x9f: {  	[sflag:s0] =	ssyncset.done $0x0  }
0xa0: {  	[sflag:s0] =	ssyncadd.s32 $0xFFFFE000  }
0xa1: {  	_ =	swait.ge [sflag:s17], $0x2000  }
0xa2: {  	s1 =	rddreg [dreg:$0x5]  }
0xa3: {  	s31 =	rddreg [dreg:$0x4];
	s1 =	sadd.s32 $0x1, s1  }
0xa4: {  	p0 =	sne.s32 s1, s31  }
.Ltmp5:
0xa5: {  	_ = 	snop;
	(pc) =	sbr.rel @p0 .LBB2_1-.Ltmp5, $3  }
0xa6: {  	_ =	sdelay $0x1  }
0xa7: {  	[sflag:s17] =	ssyncset.done $0x0  }
0xa8: {  	[sflag:s17] =	ssyncadd.s32 $0xFFFFE000  }
0xa9: {  	_ =	sfence.sel $0x180000  }
0xaa: {  	[bflag:$0x0] =	sbarrier.arrive $0xFFFF  }
0xab: {  	_ =	strace $0x90000047  }
0xac: {  	s0 =	stileid.u32;
	[bflag:$0x2] =	sbarrier.arrive $0xFFFF  }
0xad: {  	p0 =	sne.s32 s0, $0x0;
	s0 =	rddreg [dreg:$0x2]  }
0xae: {  	s0 =	sadd.s32 @!p0 $0x100000, s0  }
0xaf: {  	[sflag:s0] =	ssyncadd.tile.s32 @!p0 $0x1;
	_ =	shalt  }
.Lfunc_end2:
_tile_overlayer_lowered:
.L_overlay_start_2:
0xb0: {  	(tag) =	ssettag $0x2  }
0xb1: {  	s0 =	rddreg [dreg:$0x0];
	s2 =	stileid.u32  }
0xb2: {  	s1 =	rddreg [dreg:$0x1];
	p0 =	sne.s32 s2, $0x0  }
0xb3: {  	s3 =	rddreg [dreg:$0x2];
	[bflag:$0x3] =	sbarrier.arrive $0xFFFF;
	s2 =	simm.s32 @!p0 $0x1C05  }
0xb4: {  	[timem:s3], [sflag:s2] =	dma.local @!p0 [hbm:s0], s1  }
0xb5: {  	s0 =	simm.s32 @!p0 $0x5  }
0xb6: {  	_ =	swait.ge @!p0 [sflag:s0], s1  }
0xb7: {  	s1 =	ssub.s32 @!p0 $0x0, s1;
	[sflag:s0] =	ssyncset.done @!p0 $0x0  }
0xb8: {  	[sflag:s0] =	ssyncadd.s32 @!p0 s1  }
0xb9: {  	[bflag:$0x3] =	sbarrier.arrive $0xFFFF  }
0xba: {  	_ =	shalt  }

</sc_bundles>
